<compile_context>
chip_gen: v7x
topology: tpu7x:2x2x1
jax: 0.10.2.dev20260603
libtpu: 0.0.44.dev20260713+nightly
codegen_flags: <defaults>
</compile_context>

<pallas_src>
import functools

import jax
import jax.numpy as jnp
from jax import lax
from jax.experimental import pallas as pl
from jax.experimental.pallas import tpu as pltpu
from jax.experimental.pallas import tpu_sc as plsc

NEG = 0.2
LAM0 = 0.8
NC = 2
NS = 16
LN = 16
G = 64


def _cdiv(a, b):
    return (a + b - 1) // b


def _prog_body(x_ref, w1_ref, w2_ref, al_ref, ar_ref, xs_ref, scl_ref,
               scr_ref):
    xb = x_ref[...]
    xs_ref[0] = jnp.dot(xb, w1_ref[...], preferred_element_type=jnp.float32)
    xs_ref[1] = jnp.dot(xb, w2_ref[...], preferred_element_type=jnp.float32)
    scl_ref[0] = jnp.dot(xb, al_ref[0], preferred_element_type=jnp.float32)
    scl_ref[1] = jnp.dot(xb, al_ref[1], preferred_element_type=jnp.float32)
    scr_ref[0] = jnp.dot(xb, ar_ref[0], preferred_element_type=jnp.float32)
    scr_ref[1] = jnp.dot(xb, ar_ref[1], preferred_element_type=jnp.float32)


def _se_body(ea_ref, vt_ref, cv_ref, se_ref):
    se_ref[0] = (
        jnp.dot(ea_ref[...], vt_ref[0], preferred_element_type=jnp.float32)
        + cv_ref[...]
    )


def _epi_body(o_ref, lam_ref, g_ref, wo_ref, b_ref, out_ref):
    o = o_ref[0] - lam_ref[...] * o_ref[1]
    ms = jnp.mean(o * o, axis=-1, keepdims=True)
    o = o / jnp.sqrt(ms + 1e-5) * g_ref[...] * jnp.float32(1.0 - LAM0)
    out_ref[...] = (
        jnp.dot(o, wo_ref[...], preferred_element_type=jnp.float32)
        + b_ref[...]
    )


def _sc_body(np_, epad, xs, scl, scr, se2, srcd, dstd, out,
             idxs, idxd, idxd2, ssrc, sdst, sev, xg, wx, tail,
             accx, accta, acctb, sem0, sem1, sem2):
    c = lax.axis_index("c")
    s = lax.axis_index("s")
    noff = c * np_
    rows_per_tile = np_ // NS
    lanes = lax.iota(jnp.int32, LN)
    m8 = lanes < 8
    zf = jnp.zeros((LN,), jnp.float32)

    def _zrow(i, _):
        for j in range(8):
            wx[i, pl.ds(j * LN, LN)] = zf
        tail[i, pl.ds(0, LN)] = zf
        return 0
    lax.fori_loop(0, G, _zrow, 0)
    for k in range(rows_per_tile // G):
        base = s * rows_per_tile + k * G
        pltpu.sync_copy(wx, accx.at[pl.ds(base, G)])
        pltpu.sync_copy(tail, accta.at[pl.ds(base, G)])
        pltpu.sync_copy(tail, acctb.at[pl.ds(base, G)])
    plsc.subcore_barrier()

    n_chunks = epad // (NS * G)

    def edge_body(g, _):
        base = (g * NS + s) * G
        pltpu.sync_copy(srcd.at[pl.ds(base, G)], idxs)
        pltpu.sync_copy(dstd.at[pl.ds(base, G)], idxd)
        pltpu.sync_copy(se2.at[pl.ds(c * epad + base, G)], sev)

        def _off(i, _):
            idxs[pl.ds(i * LN, LN)] = idxs[pl.ds(i * LN, LN)] + noff
            idxd2[pl.ds(i * LN, LN)] = idxd[pl.ds(i * LN, LN)] + noff
            return 0
        lax.fori_loop(0, G // LN, _off, 0)
        cp_s = pltpu.async_copy(scl.at[idxs], ssrc, sem0)
        cp_d = pltpu.async_copy(scr.at[idxd2], sdst, sem1)
        cp_x = pltpu.async_copy(xs.at[idxs], xg, sem2)
        cp_s.wait()
        cp_d.wait()
        cp_x.wait()

        def erow(i, _):
            srow = ssrc[i, pl.ds(0, LN)]
            drow = sdst[i, pl.ds(0, LN)]
            serow = sev[i, pl.ds(0, LN)]
            a = srow + drow + serow
            a = jnp.where(a >= 0.0, a, jnp.float32(NEG) * a)
            exv = jnp.exp(a)
            tail[i, pl.ds(0, LN)] = jnp.where(m8, exv, zf)
            e0 = exv[0]
            e1 = exv[1]
            e2 = exv[2]
            e3 = exv[3]
            for j, ev in ((0, e0), (1, e0), (2, e1), (3, e1),
                          (4, e2), (5, e2), (6, e3), (7, e3)):
                wx[i, pl.ds(j * LN, LN)] = xg[i, pl.ds(j * LN, LN)] * ev
            return 0
        lax.fori_loop(0, G, erow, 0)
        pltpu.sync_copy(wx, accx.at[idxd], add=True)
        pltpu.sync_copy(tail, accta.at[idxd], add=True)
        pltpu.sync_copy(sev, acctb.at[idxd], add=True)
        return 0

    lax.fori_loop(0, n_chunks, edge_body, 0)
    plsc.subcore_barrier()

    def node_chunk(t, _):
        nb = s * rows_per_tile + t * G
        pltpu.sync_copy(accx.at[pl.ds(nb, G)], xg)
        pltpu.sync_copy(accta.at[pl.ds(nb, G)], tail)
        pltpu.sync_copy(acctb.at[pl.ds(nb, G)], sev)
        pltpu.sync_copy(scl.at[pl.ds(noff + nb, G)], ssrc)
        pltpu.sync_copy(scr.at[pl.ds(noff + nb, G)], sdst)
        pltpu.sync_copy(xs.at[pl.ds(noff + nb, G)], wx)

        def nrow(i, _):
            tra = tail[i, pl.ds(0, LN)]
            trb = sev[i, pl.ds(0, LN)]
            srow = ssrc[i, pl.ds(0, LN)]
            drow = sdst[i, pl.ds(0, LN)]
            cntm = jnp.maximum(jnp.full((LN,), trb[8], jnp.float32), 1.0)
            lsev = trb / cntm
            a = srow + drow + lsev
            a = jnp.where(a >= 0.0, a, jnp.float32(NEG) * a)
            exlv = jnp.exp(a)
            invv = 1.0 / (tra + exlv + 1e-16)
            for h in range(4):
                exl = exlv[h]
                inv = invv[h]
                for j in (2 * h, 2 * h + 1):
                    xg[i, pl.ds(j * LN, LN)] = (
                        xg[i, pl.ds(j * LN, LN)]
                        + exl * wx[i, pl.ds(j * LN, LN)]
                    ) * inv
            return 0
        lax.fori_loop(0, G, nrow, 0)
        pltpu.sync_copy(xg, out.at[pl.ds(noff + nb, G)])
        return 0

    lax.fori_loop(0, rows_per_tile // G, node_chunk, 0)


def kernel(x, edge_index, edge_attr, W1, W2, We1, We2, att_l1, att_r1,
           att_l2, att_r2, att_e1, att_e2, lq1, lk1, lq2, lk2, rms_scale,
           Wout, bout, bias):
    N, D = x.shape
    E = edge_index.shape[1]
    H, C = att_l1.shape
    ED = edge_attr.shape[1]
    HC = H * C

    w1r = W1.reshape(D, H, C)
    w2r = W2.reshape(D, H, C)

    def _dup16(v):
        return jnp.concatenate([v, v, jnp.zeros((v.shape[0], 8), v.dtype)],
                               axis=1)

    Al = jnp.stack([_dup16(jnp.einsum("dhc,hc->dh", w1r, att_l1)),
                    _dup16(jnp.einsum("dhc,hc->dh", w2r, att_l2))])
    Ar = jnp.stack([_dup16(jnp.einsum("dhc,hc->dh", w1r, att_r1)),
                    _dup16(jnp.einsum("dhc,hc->dh", w2r, att_r2))])
    RE = 128 // LN
    eye = jnp.eye(RE, dtype=jnp.float32)
    Vt = jnp.stack([
        jnp.kron(eye, _dup16(jnp.einsum("khc,hc->kh",
                                        We1.reshape(ED, H, C), att_e1))),
        jnp.kron(eye, _dup16(jnp.einsum("khc,hc->kh",
                                        We2.reshape(ED, H, C), att_e2))),
    ])
    cvec = jnp.tile(
        jnp.asarray([0.0] * 8 + [1.0] + [0.0] * 7, jnp.float32), RE
    ).reshape(1, 16 * RE)
    lam = (jnp.exp(jnp.sum(lq1 * lk1, -1))
           - jnp.exp(jnp.sum(lq2 * lk2, -1)) + LAM0)
    lamvec = jnp.repeat(lam, C).reshape(1, HC)
    biasvec = (bout + bias).reshape(1, HC)

    Np = _cdiv(N, NS * G) * NS * G
    Ep = _cdiv(E, 4096) * 4096
    npad = Np - N
    x_p = jnp.pad(x, ((0, npad), (0, 0)))
    e_extra = Ep - E
    if e_extra:
        pad_idx = jnp.int32(N) + (
            jnp.arange(e_extra, dtype=jnp.int32) % jnp.int32(max(npad, 1)))
    else:
        pad_idx = jnp.zeros((0,), jnp.int32)
    srcd = jnp.concatenate([edge_index[0], pad_idx])
    dstd = jnp.concatenate([edge_index[1], pad_idx])
    ea_p = jnp.pad(edge_attr, ((0, e_extra), (0, 0)))
    ea_r = ea_p.reshape(Ep // RE, ED * RE)

    BN = 512
    xs3, scl3, scr3 = pl.pallas_call(
        _prog_body,
        grid=(Np // BN,),
        in_specs=[
            pl.BlockSpec((BN, D), lambda i: (i, 0)),
            pl.BlockSpec((D, HC), lambda i: (0, 0)),
            pl.BlockSpec((D, HC), lambda i: (0, 0)),
            pl.BlockSpec((2, D, 16), lambda i: (0, 0, 0)),
            pl.BlockSpec((2, D, 16), lambda i: (0, 0, 0)),
        ],
        out_specs=[
            pl.BlockSpec((2, BN, D), lambda i: (0, i, 0)),
            pl.BlockSpec((2, BN, 16), lambda i: (0, i, 0)),
            pl.BlockSpec((2, BN, 16), lambda i: (0, i, 0)),
        ],
        out_shape=[
            jax.ShapeDtypeStruct((2, Np, D), jnp.float32),
            jax.ShapeDtypeStruct((2, Np, 16), jnp.float32),
            jax.ShapeDtypeStruct((2, Np, 16), jnp.float32),
        ],
    )(x_p, W1, W2, Al, Ar)
    xs = xs3.reshape(2 * Np, D)
    scl = scl3.reshape(2 * Np, 16)
    scr = scr3.reshape(2 * Np, 16)

    BE = 512
    se_r = pl.pallas_call(
        _se_body,
        grid=(2, Ep // RE // BE),
        in_specs=[
            pl.BlockSpec((BE, ED * RE), lambda p, i: (i, 0)),
            pl.BlockSpec((1, ED * RE, 16 * RE), lambda p, i: (p, 0, 0)),
            pl.BlockSpec((1, 16 * RE), lambda p, i: (0, 0)),
        ],
        out_specs=pl.BlockSpec((1, BE, 16 * RE), lambda p, i: (p, i, 0)),
        out_shape=jax.ShapeDtypeStruct((2, Ep // RE, 16 * RE), jnp.float32),
    )(ea_r, Vt, cvec)
    se2 = se_r.reshape(2 * Ep, 16)

    mesh = plsc.VectorSubcoreMesh(core_axis_name="c", subcore_axis_name="s",
                                  num_cores=NC, num_subcores=NS)
    outp = pl.kernel(
        functools.partial(_sc_body, Np, Ep),
        out_type=jax.ShapeDtypeStruct((2 * Np, D), jnp.float32),
        mesh=mesh,
        compiler_params=pltpu.CompilerParams(use_tc_tiling_on_sc=False),
        scratch_types=[
            pltpu.VMEM((G,), jnp.int32),
            pltpu.VMEM((G,), jnp.int32),
            pltpu.VMEM((G,), jnp.int32),
            pltpu.VMEM((G, 16), jnp.float32),
            pltpu.VMEM((G, 16), jnp.float32),
            pltpu.VMEM((G, 16), jnp.float32),
            pltpu.VMEM((G, 128), jnp.float32),
            pltpu.VMEM((G, 128), jnp.float32),
            pltpu.VMEM((G, 16), jnp.float32),
            pltpu.VMEM_SHARED((Np, 128), jnp.float32),
            pltpu.VMEM_SHARED((Np, 16), jnp.float32),
            pltpu.VMEM_SHARED((Np, 16), jnp.float32),
            pltpu.SemaphoreType.DMA,
            pltpu.SemaphoreType.DMA,
            pltpu.SemaphoreType.DMA,
        ],
    )(xs, scl, scr, se2, srcd, dstd)

    out = pl.pallas_call(
        _epi_body,
        grid=(Np // BN,),
        in_specs=[
            pl.BlockSpec((2, BN, D), lambda i: (0, i, 0)),
            pl.BlockSpec((1, HC), lambda i: (0, 0)),
            pl.BlockSpec((1, HC), lambda i: (0, 0)),
            pl.BlockSpec((HC, HC), lambda i: (0, 0)),
            pl.BlockSpec((1, HC), lambda i: (0, 0)),
        ],
        out_specs=pl.BlockSpec((BN, HC), lambda i: (i, 0)),
        out_shape=jax.ShapeDtypeStruct((Np, HC), jnp.float32),
    )(outp.reshape(2, Np, D), lamvec, rms_scale.reshape(1, HC), Wout, biasvec)
    return out[:N]

# --- scband reference (transcript-rebuilt; emitter-appended) ---
"""Pipeline reference for scband-differential-graph-transformer-layer-8615704396326 (READ-ONLY COPY).

The authoritative reference and input builder live on the scoring server;
editing this copy changes nothing except your own understanding.
"""

import jax, jax.numpy as jnp
import numpy as np

N = 10000
E = 320000
D = 128
H = 4
C = 32
ED = 16
NEG = 0.2
LAM0 = 0.8


def setup_inputs(seed: int = 0) -> dict:
    key = jax.random.key(seed)
    ks = jax.random.split(key, 24)
    s = 0.1
    inp = {}
    inp["x"] = jax.random.normal(ks[0], (N, D), dtype=jnp.float32)
    inp["edge_index"] = jax.random.randint(ks[1], (2, E), 0, N, dtype=jnp.int32)
    inp["edge_attr"] = jax.random.normal(ks[2], (E, ED), dtype=jnp.float32)
    inp["W1"] = jax.random.normal(ks[3], (D, H * C), dtype=jnp.float32) * s
    inp["W2"] = jax.random.normal(ks[4], (D, H * C), dtype=jnp.float32) * s
    inp["We1"] = jax.random.normal(ks[5], (ED, H * C), dtype=jnp.float32) * s
    inp["We2"] = jax.random.normal(ks[6], (ED, H * C), dtype=jnp.float32) * s
    inp["att_l1"] = jax.random.normal(ks[7], (H, C), dtype=jnp.float32) * s
    inp["att_r1"] = jax.random.normal(ks[8], (H, C), dtype=jnp.float32) * s
    inp["att_l2"] = jax.random.normal(ks[9], (H, C), dtype=jnp.float32) * s
    inp["att_r2"] = jax.random.normal(ks[10], (H, C), dtype=jnp.float32) * s
    inp["att_e1"] = jax.random.normal(ks[11], (H, C), dtype=jnp.float32) * s
    inp["att_e2"] = jax.random.normal(ks[12], (H, C), dtype=jnp.float32) * s
    inp["lq1"] = jax.random.normal(ks[13], (H, C), dtype=jnp.float32) * s
    inp["lk1"] = jax.random.normal(ks[14], (H, C), dtype=jnp.float32) * s
    inp["lq2"] = jax.random.normal(ks[15], (H, C), dtype=jnp.float32) * s
    inp["lk2"] = jax.random.normal(ks[16], (H, C), dtype=jnp.float32) * s
    inp["rms_scale"] = jnp.ones((H * C,), dtype=jnp.float32)
    inp["Wout"] = jax.random.normal(ks[17], (H * C, H * C), dtype=jnp.float32) * s
    inp["bout"] = jnp.zeros((H * C,), dtype=jnp.float32)
    inp["bias"] = jnp.zeros((H * C,), dtype=jnp.float32)
    return inp


def reference(x, edge_index, edge_attr, W1, W2, We1, We2, att_l1, att_r1, att_l2, att_r2, att_e1, att_e2, lq1, lk1, lq2, lk2, rms_scale, Wout, bout, bias):
    src = edge_index[0]
    dst = edge_index[1]
    # add_self_loops with fill_value='mean': per-dst-node mean of incoming edge attrs
    cnt = jax.ops.segment_sum(jnp.ones((E,), jnp.float32), dst, num_segments=N)
    loop_attr = jax.ops.segment_sum(edge_attr, dst, num_segments=N) / jnp.maximum(cnt, 1.0)[:, None]
    ar = jnp.arange(N, dtype=src.dtype)
    src2 = jnp.concatenate([src, ar])
    dst2 = jnp.concatenate([dst, ar])
    ea = jnp.concatenate([edge_attr, loop_attr], axis=0)
    x1 = (x @ W1).reshape(N, H, C)
    x2 = (x @ W2).reshape(N, H, C)
    e1 = (ea @ We1).reshape(-1, H, C)
    e2 = (ea @ We2).reshape(-1, H, C)

    def prop(xp, ep, al, ar_att, ae):
        xj = xp[src2]
        xi = xp[dst2]
        alpha = jnp.sum(xj * al, -1) + jnp.sum(xi * ar_att, -1) + jnp.sum(ep * ae, -1)
        alpha = jax.nn.leaky_relu(alpha, NEG)
        amax = jax.ops.segment_max(alpha, dst2, num_segments=N)
        exa = jnp.exp(alpha - amax[dst2])
        den = jax.ops.segment_sum(exa, dst2, num_segments=N)
        a = exa / (den[dst2] + 1e-16)
        return jax.ops.segment_sum(xj * a[..., None], dst2, num_segments=N)

    out1 = prop(x1, e1, att_l1, att_r1, att_e1)
    out2 = prop(x2, e2, att_l2, att_r2, att_e2)
    lam = jnp.exp(jnp.sum(lq1 * lk1, -1)) - jnp.exp(jnp.sum(lq2 * lk2, -1)) + LAM0
    out = out1 - lam[None, :, None] * out2
    out = out.reshape(N, H * C)
    nrm = jnp.sqrt(jnp.mean(out ** 2, axis=-1, keepdims=True) + 1e-5)
    out = out / nrm * rms_scale
    out = out * (1.0 - LAM0)
    out = out @ Wout + bout + bias
    return out

if __name__ == "__main__":
    import jax
    _d = setup_inputs()
    print(jax.jit(kernel)(*tuple(_d.values())))

</pallas_src>

<mosaic_0001>
#map = affine_map<(d0, d1) -> (0, 0)>
#map1 = affine_map<(d0, d1) -> (0)>
module attributes {stable_mosaic.version = 14 : i64} {
  func.func @_sc_body(%arg0: i32, %arg1: i32, %arg2: memref<20480x128xf32, #tpu.memory_space<hbm>>, %arg3: memref<20480x16xf32, #tpu.memory_space<hbm>>, %arg4: memref<20480x16xf32, #tpu.memory_space<hbm>>, %arg5: memref<647168x16xf32, #tpu.memory_space<hbm>>, %arg6: memref<323584xi32, #tpu.memory_space<hbm>>, %arg7: memref<323584xi32, #tpu.memory_space<hbm>>, %arg8: memref<20480x128xf32, #tpu.memory_space<hbm>>, %arg9: memref<64xi32, #tpu.memory_space<vmem>>, %arg10: memref<64xi32, #tpu.memory_space<vmem>>, %arg11: memref<64xi32, #tpu.memory_space<vmem>>, %arg12: memref<64x16xf32, #tpu.memory_space<vmem>>, %arg13: memref<64x16xf32, #tpu.memory_space<vmem>>, %arg14: memref<64x16xf32, #tpu.memory_space<vmem>>, %arg15: memref<64x128xf32, #tpu.memory_space<vmem>>, %arg16: memref<64x128xf32, #tpu.memory_space<vmem>>, %arg17: memref<64x16xf32, #tpu.memory_space<vmem>>, %arg18: memref<10240x128xf32, #tpu.memory_space<vmem_shared>>, %arg19: memref<10240x16xf32, #tpu.memory_space<vmem_shared>>, %arg20: memref<10240x16xf32, #tpu.memory_space<vmem_shared>>, %arg21: memref<!tpu.dma_semaphore, #tpu.memory_space<semaphore_mem>>, %arg22: memref<!tpu.dma_semaphore, #tpu.memory_space<semaphore_mem>>, %arg23: memref<!tpu.dma_semaphore, #tpu.memory_space<semaphore_mem>>) attributes {dimension_semantics = [#tpu.dimension_semantics<core_parallel>, #tpu.dimension_semantics<subcore_parallel>], iteration_bounds = array<i64: 2, 16>, scalar_prefetch = 0 : i64, scratch_operands = 15 : i64, tpu.core_type = #tpu.core_type<sc_vector_subcore>, window_params = [{transform_indices = #map}, {transform_indices = #map}, {transform_indices = #map}, {transform_indices = #map}, {transform_indices = #map1}, {transform_indices = #map1}, {transform_indices = #map}]} {
    %mul3A = arith.constant 10240 : i32
    %mul3A_0 = arith.muli %arg0, %mul3A : i32
    %iota3A = tpu.iota {dimensions = array<i32: 0>} : vector<16xi32>
    %lt3A = arith.constant 8 : i32
    %lt3A_1 = vector.broadcast %lt3A : i32 to vector<16xi32>
    %lt3A_2 = arith.cmpi slt, %iota3A, %lt3A_1 : vector<16xi32>
    %broadcast_in_dim3A = arith.constant 0.000000e+00 : f32
    %broadcast_in_dim3A_3 = vector.broadcast %broadcast_in_dim3A : f32 to vector<16xf32>
    %scan3A = arith.constant 0 : i32
    %scan3A_4 = arith.constant 0 : i32
    %scan3A_5 = arith.constant 64 : i32
    %scan3A_6 = arith.addi %scan3A_4, %scan3A_5 : i32
    %scan3A_7 = arith.constant 1 : i32
    %scan3A_8 = scf.for %scan3A_64 = %scan3A_4 to %scan3A_6 step %scan3A_7 iter_args(%scan3A_65 = %scan3A) -> (i32)  : i32 {
      %swap3A = arith.index_cast %scan3A_64 : i32 to index
      %swap3A_66 = arith.constant 0 : index
      %swap3A_67 = tpu.vector_load %arg16[%swap3A, %swap3A_66] {strides = array<i32>} : memref<64x128xf32, #tpu.memory_space<vmem>>, vector<1x16xf32>,
      %swap3A_68 = vector.shape_cast %swap3A_67 : vector<1x16xf32> to vector<16xf32>
      %swap3A_69 = vector.shape_cast %broadcast_in_dim3A_3 : vector<16xf32> to vector<1x16xf32>
      tpu.vector_store %arg16[%swap3A, %swap3A_66], %swap3A_69 {strides = array<i32>} : memref<64x128xf32, #tpu.memory_space<vmem>>, vector<1x16xf32>,
      %swap3A_70 = arith.index_cast %scan3A_64 : i32 to index
      %swap3A_71 = arith.constant 16 : index
      %swap3A_72 = tpu.vector_load %arg16[%swap3A_70, %swap3A_71] {strides = array<i32>} : memref<64x128xf32, #tpu.memory_space<vmem>>, vector<1x16xf32>,
      %swap3A_73 = vector.shape_cast %swap3A_72 : vector<1x16xf32> to vector<16xf32>
      %swap3A_74 = vector.shape_cast %broadcast_in_dim3A_3 : vector<16xf32> to vector<1x16xf32>
      tpu.vector_store %arg16[%swap3A_70, %swap3A_71], %swap3A_74 {strides = array<i32>} : memref<64x128xf32, #tpu.memory_space<vmem>>, vector<1x16xf32>,
      %swap3A_75 = arith.index_cast %scan3A_64 : i32 to index
      %swap3A_76 = arith.constant 32 : index
      %swap3A_77 = tpu.vector_load %arg16[%swap3A_75, %swap3A_76] {strides = array<i32>} : memref<64x128xf32, #tpu.memory_space<vmem>>, vector<1x16xf32>,
      %swap3A_78 = vector.shape_cast %swap3A_77 : vector<1x16xf32> to vector<16xf32>
      %swap3A_79 = vector.shape_cast %broadcast_in_dim3A_3 : vector<16xf32> to vector<1x16xf32>
      tpu.vector_store %arg16[%swap3A_75, %swap3A_76], %swap3A_79 {strides = array<i32>} : memref<64x128xf32, #tpu.memory_space<vmem>>, vector<1x16xf32>,
      %swap3A_80 = arith.index_cast %scan3A_64 : i32 to index
      %swap3A_81 = arith.constant 48 : index
      %swap3A_82 = tpu.vector_load %arg16[%swap3A_80, %swap3A_81] {strides = array<i32>} : memref<64x128xf32, #tpu.memory_space<vmem>>, vector<1x16xf32>,
      %swap3A_83 = vector.shape_cast %swap3A_82 : vector<1x16xf32> to vector<16xf32>
      %swap3A_84 = vector.shape_cast %broadcast_in_dim3A_3 : vector<16xf32> to vector<1x16xf32>
      tpu.vector_store %arg16[%swap3A_80, %swap3A_81], %swap3A_84 {strides = array<i32>} : memref<64x128xf32, #tpu.memory_space<vmem>>, vector<1x16xf32>,
      %swap3A_85 = arith.index_cast %scan3A_64 : i32 to index
      %swap3A_86 = arith.constant 64 : index
      %swap3A_87 = tpu.vector_load %arg16[%swap3A_85, %swap3A_86] {strides = array<i32>} : memref<64x128xf32, #tpu.memory_space<vmem>>, vector<1x16xf32>,
      %swap3A_88 = vector.shape_cast %swap3A_87 : vector<1x16xf32> to vector<16xf32>
      %swap3A_89 = vector.shape_cast %broadcast_in_dim3A_3 : vector<16xf32> to vector<1x16xf32>
      tpu.vector_store %arg16[%swap3A_85, %swap3A_86], %swap3A_89 {strides = array<i32>} : memref<64x128xf32, #tpu.memory_space<vmem>>, vector<1x16xf32>,
      %swap3A_90 = arith.index_cast %scan3A_64 : i32 to index
      %swap3A_91 = arith.constant 80 : index
      %swap3A_92 = tpu.vector_load %arg16[%swap3A_90, %swap3A_91] {strides = array<i32>} : memref<64x128xf32, #tpu.memory_space<vmem>>, vector<1x16xf32>,
      %swap3A_93 = vector.shape_cast %swap3A_92 : vector<1x16xf32> to vector<16xf32>
      %swap3A_94 = vector.shape_cast %broadcast_in_dim3A_3 : vector<16xf32> to vector<1x16xf32>
      tpu.vector_store %arg16[%swap3A_90, %swap3A_91], %swap3A_94 {strides = array<i32>} : memref<64x128xf32, #tpu.memory_space<vmem>>, vector<1x16xf32>,
      %swap3A_95 = arith.index_cast %scan3A_64 : i32 to index
      %swap3A_96 = arith.constant 96 : index
      %swap3A_97 = tpu.vector_load %arg16[%swap3A_95, %swap3A_96] {strides = array<i32>} : memref<64x128xf32, #tpu.memory_space<vmem>>, vector<1x16xf32>,
      %swap3A_98 = vector.shape_cast %swap3A_97 : vector<1x16xf32> to vector<16xf32>
      %swap3A_99 = vector.shape_cast %broadcast_in_dim3A_3 : vector<16xf32> to vector<1x16xf32>
      tpu.vector_store %arg16[%swap3A_95, %swap3A_96], %swap3A_99 {strides = array<i32>} : memref<64x128xf32, #tpu.memory_space<vmem>>, vector<1x16xf32>,
      %swap3A_100 = arith.index_cast %scan3A_64 : i32 to index
      %swap3A_101 = arith.constant 112 : index
      %swap3A_102 = tpu.vector_load %arg16[%swap3A_100, %swap3A_101] {strides = array<i32>} : memref<64x128xf32, #tpu.memory_space<vmem>>, vector<1x16xf32>,
      %swap3A_103 = vector.shape_cast %swap3A_102 : vector<1x16xf32> to vector<16xf32>
      %swap3A_104 = vector.shape_cast %broadcast_in_dim3A_3 : vector<16xf32> to vector<1x16xf32>
      tpu.vector_store %arg16[%swap3A_100, %swap3A_101], %swap3A_104 {strides = array<i32>} : memref<64x128xf32, #tpu.memory_space<vmem>>, vector<1x16xf32>,
      %swap3A_105 = arith.index_cast %scan3A_64 : i32 to index
      %swap3A_106 = arith.constant 0 : index
      %swap3A_107 = tpu.vector_load %arg17[%swap3A_105, %swap3A_106] {strides = array<i32>} : memref<64x16xf32, #tpu.memory_space<vmem>>, vector<1x16xf32>,
      %swap3A_108 = vector.shape_cast %swap3A_107 : vector<1x16xf32> to vector<16xf32>
      %swap3A_109 = vector.shape_cast %broadcast_in_dim3A_3 : vector<16xf32> to vector<1x16xf32>
      tpu.vector_store %arg17[%swap3A_105, %swap3A_106], %swap3A_109 {strides = array<i32>} : memref<64x16xf32, #tpu.memory_space<vmem>>, vector<1x16xf32>,
      %scan3A_110 = arith.constant 0 : i32
      scf.yield %scan3A_110 : i32
    }
    %scan3A_9 = arith.constant 64 : i32
    %mul3A_10 = arith.constant 640 : i32
    %mul3A_11 = arith.muli %arg1, %mul3A_10 : i32
    %add3A = arith.constant 0 : i32
    %add3A_12 = arith.addi %mul3A_11, %add3A : i32
    "tpu.region"() ({
      %run_scoped3A = tpu.sem_alloc : memref<!tpu.dma_semaphore, #tpu.memory_space<semaphore_mem>>
      %dma_start3A = arith.constant 0 : i32
      %dma_start3A_64 = tpu.memref_slice %arg18[%add3A_12, %dma_start3A] : memref<10240x128xf32, #tpu.memory_space<vmem_shared>> -> memref<64x128xf32, #tpu.memory_space<vmem_shared>>
      %dma_start3A_65 = arith.constant 0 : i32
      %dma_start3A_66 = tpu.memref_slice %arg18[%add3A_12, %dma_start3A_65] : memref<10240x128xf32, #tpu.memory_space<vmem_shared>> -> memref<64x128xf32, #tpu.memory_space<vmem_shared>>
      tpu.enqueue_dma source(%arg16 : memref<64x128xf32, #tpu.memory_space<vmem>>) target(%dma_start3A_66 : memref<64x128xf32, #tpu.memory_space<vmem_shared>>) target_semaphore(%run_scoped3A : memref<!tpu.dma_semaphore, #tpu.memory_space<semaphore_mem>>)
      %dma_wait3A = arith.constant 0 : i32
      %dma_wait3A_67 = tpu.memref_slice %arg18[%add3A_12, %dma_wait3A] : memref<10240x128xf32, #tpu.memory_space<vmem_shared>> -> memref<64x128xf32, #tpu.memory_space<vmem_shared>>
      %dma_wait3A_68 = arith.constant 0 : i32
      %dma_wait3A_69 = tpu.memref_slice %arg18[%add3A_12, %dma_wait3A_68] : memref<10240x128xf32, #tpu.memory_space<vmem_shared>> -> memref<64x128xf32, #tpu.memory_space<vmem_shared>>
      tpu.wait_dma2 semaphore(%run_scoped3A : memref<!tpu.dma_semaphore, #tpu.memory_space<semaphore_mem>>) src(%arg16 : memref<64x128xf32, #tpu.memory_space<vmem>>) dst(%dma_wait3A_69 : memref<64x128xf32, #tpu.memory_space<vmem_shared>>)
      tpu.yield
    }) : () -> ()
    "tpu.region"() ({
      %run_scoped3A = tpu.sem_alloc : memref<!tpu.dma_semaphore, #tpu.memory_space<semaphore_mem>>
      %dma_start3A = arith.constant 0 : i32
      %dma_start3A_64 = tpu.memref_slice %arg19[%add3A_12, %dma_start3A] : memref<10240x16xf32, #tpu.memory_space<vmem_shared>> -> memref<64x16xf32, #tpu.memory_space<vmem_shared>>
      %dma_start3A_65 = arith.constant 0 : i32
      %dma_start3A_66 = tpu.memref_slice %arg19[%add3A_12, %dma_start3A_65] : memref<10240x16xf32, #tpu.memory_space<vmem_shared>> -> memref<64x16xf32, #tpu.memory_space<vmem_shared>>
      tpu.enqueue_dma source(%arg17 : memref<64x16xf32, #tpu.memory_space<vmem>>) target(%dma_start3A_66 : memref<64x16xf32, #tpu.memory_space<vmem_shared>>) target_semaphore(%run_scoped3A : memref<!tpu.dma_semaphore, #tpu.memory_space<semaphore_mem>>)
      %dma_wait3A = arith.constant 0 : i32
      %dma_wait3A_67 = tpu.memref_slice %arg19[%add3A_12, %dma_wait3A] : memref<10240x16xf32, #tpu.memory_space<vmem_shared>> -> memref<64x16xf32, #tpu.memory_space<vmem_shared>>
      %dma_wait3A_68 = arith.constant 0 : i32
      %dma_wait3A_69 = tpu.memref_slice %arg19[%add3A_12, %dma_wait3A_68] : memref<10240x16xf32, #tpu.memory_space<vmem_shared>> -> memref<64x16xf32, #tpu.memory_space<vmem_shared>>
      tpu.wait_dma2 semaphore(%run_scoped3A : memref<!tpu.dma_semaphore, #tpu.memory_space<semaphore_mem>>) src(%arg17 : memref<64x16xf32, #tpu.memory_space<vmem>>) dst(%dma_wait3A_69 : memref<64x16xf32, #tpu.memory_space<vmem_shared>>)
      tpu.yield
    }) : () -> ()
    "tpu.region"() ({
      %run_scoped3A = tpu.sem_alloc : memref<!tpu.dma_semaphore, #tpu.memory_space<semaphore_mem>>
      %dma_start3A = arith.constant 0 : i32
      %dma_start3A_64 = tpu.memref_slice %arg20[%add3A_12, %dma_start3A] : memref<10240x16xf32, #tpu.memory_space<vmem_shared>> -> memref<64x16xf32, #tpu.memory_space<vmem_shared>>
      %dma_start3A_65 = arith.constant 0 : i32
      %dma_start3A_66 = tpu.memref_slice %arg20[%add3A_12, %dma_start3A_65] : memref<10240x16xf32, #tpu.memory_space<vmem_shared>> -> memref<64x16xf32, #tpu.memory_space<vmem_shared>>
      tpu.enqueue_dma source(%arg17 : memref<64x16xf32, #tpu.memory_space<vmem>>) target(%dma_start3A_66 : memref<64x16xf32, #tpu.memory_space<vmem_shared>>) target_semaphore(%run_scoped3A : memref<!tpu.dma_semaphore, #tpu.memory_space<semaphore_mem>>)
      %dma_wait3A = arith.constant 0 : i32
      %dma_wait3A_67 = tpu.memref_slice %arg20[%add3A_12, %dma_wait3A] : memref<10240x16xf32, #tpu.memory_space<vmem_shared>> -> memref<64x16xf32, #tpu.memory_space<vmem_shared>>
      %dma_wait3A_68 = arith.constant 0 : i32
      %dma_wait3A_69 = tpu.memref_slice %arg20[%add3A_12, %dma_wait3A_68] : memref<10240x16xf32, #tpu.memory_space<vmem_shared>> -> memref<64x16xf32, #tpu.memory_space<vmem_shared>>
      tpu.wait_dma2 semaphore(%run_scoped3A : memref<!tpu.dma_semaphore, #tpu.memory_space<semaphore_mem>>) src(%arg17 : memref<64x16xf32, #tpu.memory_space<vmem>>) dst(%dma_wait3A_69 : memref<64x16xf32, #tpu.memory_space<vmem_shared>>)
      tpu.yield
    }) : () -> ()
    %mul3A_13 = arith.constant 640 : i32
    %mul3A_14 = arith.muli %arg1, %mul3A_13 : i32
    %add3A_15 = arith.constant 64 : i32
    %add3A_16 = arith.addi %mul3A_14, %add3A_15 : i32
    "tpu.region"() ({
      %run_scoped3A = tpu.sem_alloc : memref<!tpu.dma_semaphore, #tpu.memory_space<semaphore_mem>>
      %dma_start3A = arith.constant 0 : i32
      %dma_start3A_64 = tpu.memref_slice %arg18[%add3A_16, %dma_start3A] : memref<10240x128xf32, #tpu.memory_space<vmem_shared>> -> memref<64x128xf32, #tpu.memory_space<vmem_shared>>
      %dma_start3A_65 = arith.constant 0 : i32
      %dma_start3A_66 = tpu.memref_slice %arg18[%add3A_16, %dma_start3A_65] : memref<10240x128xf32, #tpu.memory_space<vmem_shared>> -> memref<64x128xf32, #tpu.memory_space<vmem_shared>>
      tpu.enqueue_dma source(%arg16 : memref<64x128xf32, #tpu.memory_space<vmem>>) target(%dma_start3A_66 : memref<64x128xf32, #tpu.memory_space<vmem_shared>>) target_semaphore(%run_scoped3A : memref<!tpu.dma_semaphore, #tpu.memory_space<semaphore_mem>>)
      %dma_wait3A = arith.constant 0 : i32
      %dma_wait3A_67 = tpu.memref_slice %arg18[%add3A_16, %dma_wait3A] : memref<10240x128xf32, #tpu.memory_space<vmem_shared>> -> memref<64x128xf32, #tpu.memory_space<vmem_shared>>
      %dma_wait3A_68 = arith.constant 0 : i32
      %dma_wait3A_69 = tpu.memref_slice %arg18[%add3A_16, %dma_wait3A_68] : memref<10240x128xf32, #tpu.memory_space<vmem_shared>> -> memref<64x128xf32, #tpu.memory_space<vmem_shared>>
      tpu.wait_dma2 semaphore(%run_scoped3A : memref<!tpu.dma_semaphore, #tpu.memory_space<semaphore_mem>>) src(%arg16 : memref<64x128xf32, #tpu.memory_space<vmem>>) dst(%dma_wait3A_69 : memref<64x128xf32, #tpu.memory_space<vmem_shared>>)
      tpu.yield
    }) : () -> ()
    "tpu.region"() ({
      %run_scoped3A = tpu.sem_alloc : memref<!tpu.dma_semaphore, #tpu.memory_space<semaphore_mem>>
      %dma_start3A = arith.constant 0 : i32
      %dma_start3A_64 = tpu.memref_slice %arg19[%add3A_16, %dma_start3A] : memref<10240x16xf32, #tpu.memory_space<vmem_shared>> -> memref<64x16xf32, #tpu.memory_space<vmem_shared>>
      %dma_start3A_65 = arith.constant 0 : i32
      %dma_start3A_66 = tpu.memref_slice %arg19[%add3A_16, %dma_start3A_65] : memref<10240x16xf32, #tpu.memory_space<vmem_shared>> -> memref<64x16xf32, #tpu.memory_space<vmem_shared>>
      tpu.enqueue_dma source(%arg17 : memref<64x16xf32, #tpu.memory_space<vmem>>) target(%dma_start3A_66 : memref<64x16xf32, #tpu.memory_space<vmem_shared>>) target_semaphore(%run_scoped3A : memref<!tpu.dma_semaphore, #tpu.memory_space<semaphore_mem>>)
      %dma_wait3A = arith.constant 0 : i32
      %dma_wait3A_67 = tpu.memref_slice %arg19[%add3A_16, %dma_wait3A] : memref<10240x16xf32, #tpu.memory_space<vmem_shared>> -> memref<64x16xf32, #tpu.memory_space<vmem_shared>>
      %dma_wait3A_68 = arith.constant 0 : i32
      %dma_wait3A_69 = tpu.memref_slice %arg19[%add3A_16, %dma_wait3A_68] : memref<10240x16xf32, #tpu.memory_space<vmem_shared>> -> memref<64x16xf32, #tpu.memory_space<vmem_shared>>
      tpu.wait_dma2 semaphore(%run_scoped3A : memref<!tpu.dma_semaphore, #tpu.memory_space<semaphore_mem>>) src(%arg17 : memref<64x16xf32, #tpu.memory_space<vmem>>) dst(%dma_wait3A_69 : memref<64x16xf32, #tpu.memory_space<vmem_shared>>)
      tpu.yield
    }) : () -> ()
    "tpu.region"() ({
      %run_scoped3A = tpu.sem_alloc : memref<!tpu.dma_semaphore, #tpu.memory_space<semaphore_mem>>
      %dma_start3A = arith.constant 0 : i32
      %dma_start3A_64 = tpu.memref_slice %arg20[%add3A_16, %dma_start3A] : memref<10240x16xf32, #tpu.memory_space<vmem_shared>> -> memref<64x16xf32, #tpu.memory_space<vmem_shared>>
      %dma_start3A_65 = arith.constant 0 : i32
      %dma_start3A_66 = tpu.memref_slice %arg20[%add3A_16, %dma_start3A_65] : memref<10240x16xf32, #tpu.memory_space<vmem_shared>> -> memref<64x16xf32, #tpu.memory_space<vmem_shared>>
      tpu.enqueue_dma source(%arg17 : memref<64x16xf32, #tpu.memory_space<vmem>>) target(%dma_start3A_66 : memref<64x16xf32, #tpu.memory_space<vmem_shared>>) target_semaphore(%run_scoped3A : memref<!tpu.dma_semaphore, #tpu.memory_space<semaphore_mem>>)
      %dma_wait3A = arith.constant 0 : i32
      %dma_wait3A_67 = tpu.memref_slice %arg20[%add3A_16, %dma_wait3A] : memref<10240x16xf32, #tpu.memory_space<vmem_shared>> -> memref<64x16xf32, #tpu.memory_space<vmem_shared>>
      %dma_wait3A_68 = arith.constant 0 : i32
      %dma_wait3A_69 = tpu.memref_slice %arg20[%add3A_16, %dma_wait3A_68] : memref<10240x16xf32, #tpu.memory_space<vmem_shared>> -> memref<64x16xf32, #tpu.memory_space<vmem_shared>>
      tpu.wait_dma2 semaphore(%run_scoped3A : memref<!tpu.dma_semaphore, #tpu.memory_space<semaphore_mem>>) src(%arg17 : memref<64x16xf32, #tpu.memory_space<vmem>>) dst(%dma_wait3A_69 : memref<64x16xf32, #tpu.memory_space<vmem_shared>>)
      tpu.yield
    }) : () -> ()
    %mul3A_17 = arith.constant 640 : i32
    %mul3A_18 = arith.muli %arg1, %mul3A_17 : i32
    %add3A_19 = arith.constant 128 : i32
    %add3A_20 = arith.addi %mul3A_18, %add3A_19 : i32
    "tpu.region"() ({
      %run_scoped3A = tpu.sem_alloc : memref<!tpu.dma_semaphore, #tpu.memory_space<semaphore_mem>>
      %dma_start3A = arith.constant 0 : i32
      %dma_start3A_64 = tpu.memref_slice %arg18[%add3A_20, %dma_start3A] : memref<10240x128xf32, #tpu.memory_space<vmem_shared>> -> memref<64x128xf32, #tpu.memory_space<vmem_shared>>
      %dma_start3A_65 = arith.constant 0 : i32
      %dma_start3A_66 = tpu.memref_slice %arg18[%add3A_20, %dma_start3A_65] : memref<10240x128xf32, #tpu.memory_space<vmem_shared>> -> memref<64x128xf32, #tpu.memory_space<vmem_shared>>
      tpu.enqueue_dma source(%arg16 : memref<64x128xf32, #tpu.memory_space<vmem>>) target(%dma_start3A_66 : memref<64x128xf32, #tpu.memory_space<vmem_shared>>) target_semaphore(%run_scoped3A : memref<!tpu.dma_semaphore, #tpu.memory_space<semaphore_mem>>)
      %dma_wait3A = arith.constant 0 : i32
      %dma_wait3A_67 = tpu.memref_slice %arg18[%add3A_20, %dma_wait3A] : memref<10240x128xf32, #tpu.memory_space<vmem_shared>> -> memref<64x128xf32, #tpu.memory_space<vmem_shared>>
      %dma_wait3A_68 = arith.constant 0 : i32
      %dma_wait3A_69 = tpu.memref_slice %arg18[%add3A_20, %dma_wait3A_68] : memref<10240x128xf32, #tpu.memory_space<vmem_shared>> -> memref<64x128xf32, #tpu.memory_space<vmem_shared>>
      tpu.wait_dma2 semaphore(%run_scoped3A : memref<!tpu.dma_semaphore, #tpu.memory_space<semaphore_mem>>) src(%arg16 : memref<64x128xf32, #tpu.memory_space<vmem>>) dst(%dma_wait3A_69 : memref<64x128xf32, #tpu.memory_space<vmem_shared>>)
      tpu.yield
    }) : () -> ()
    "tpu.region"() ({
      %run_scoped3A = tpu.sem_alloc : memref<!tpu.dma_semaphore, #tpu.memory_space<semaphore_mem>>
      %dma_start3A = arith.constant 0 : i32
      %dma_start3A_64 = tpu.memref_slice %arg19[%add3A_20, %dma_start3A] : memref<10240x16xf32, #tpu.memory_space<vmem_shared>> -> memref<64x16xf32, #tpu.memory_space<vmem_shared>>
      %dma_start3A_65 = arith.constant 0 : i32
      %dma_start3A_66 = tpu.memref_slice %arg19[%add3A_20, %dma_start3A_65] : memref<10240x16xf32, #tpu.memory_space<vmem_shared>> -> memref<64x16xf32, #tpu.memory_space<vmem_shared>>
      tpu.enqueue_dma source(%arg17 : memref<64x16xf32, #tpu.memory_space<vmem>>) target(%dma_start3A_66 : memref<64x16xf32, #tpu.memory_space<vmem_shared>>) target_semaphore(%run_scoped3A : memref<!tpu.dma_semaphore, #tpu.memory_space<semaphore_mem>>)
      %dma_wait3A = arith.constant 0 : i32
      %dma_wait3A_67 = tpu.memref_slice %arg19[%add3A_20, %dma_wait3A] : memref<10240x16xf32, #tpu.memory_space<vmem_shared>> -> memref<64x16xf32, #tpu.memory_space<vmem_shared>>
      %dma_wait3A_68 = arith.constant 0 : i32
      %dma_wait3A_69 = tpu.memref_slice %arg19[%add3A_20, %dma_wait3A_68] : memref<10240x16xf32, #tpu.memory_space<vmem_shared>> -> memref<64x16xf32, #tpu.memory_space<vmem_shared>>
      tpu.wait_dma2 semaphore(%run_scoped3A : memref<!tpu.dma_semaphore, #tpu.memory_space<semaphore_mem>>) src(%arg17 : memref<64x16xf32, #tpu.memory_space<vmem>>) dst(%dma_wait3A_69 : memref<64x16xf32, #tpu.memory_space<vmem_shared>>)
      tpu.yield
    }) : () -> ()
    "tpu.region"() ({
      %run_scoped3A = tpu.sem_alloc : memref<!tpu.dma_semaphore, #tpu.memory_space<semaphore_mem>>
      %dma_start3A = arith.constant 0 : i32
      %dma_start3A_64 = tpu.memref_slice %arg20[%add3A_20, %dma_start3A] : memref<10240x16xf32, #tpu.memory_space<vmem_shared>> -> memref<64x16xf32, #tpu.memory_space<vmem_shared>>
      %dma_start3A_65 = arith.constant 0 : i32
      %dma_start3A_66 = tpu.memref_slice %arg20[%add3A_20, %dma_start3A_65] : memref<10240x16xf32, #tpu.memory_space<vmem_shared>> -> memref<64x16xf32, #tpu.memory_space<vmem_shared>>
      tpu.enqueue_dma source(%arg17 : memref<64x16xf32, #tpu.memory_space<vmem>>) target(%dma_start3A_66 : memref<64x16xf32, #tpu.memory_space<vmem_shared>>) target_semaphore(%run_scoped3A : memref<!tpu.dma_semaphore, #tpu.memory_space<semaphore_mem>>)
      %dma_wait3A = arith.constant 0 : i32
      %dma_wait3A_67 = tpu.memref_slice %arg20[%add3A_20, %dma_wait3A] : memref<10240x16xf32, #tpu.memory_space<vmem_shared>> -> memref<64x16xf32, #tpu.memory_space<vmem_shared>>
      %dma_wait3A_68 = arith.constant 0 : i32
      %dma_wait3A_69 = tpu.memref_slice %arg20[%add3A_20, %dma_wait3A_68] : memref<10240x16xf32, #tpu.memory_space<vmem_shared>> -> memref<64x16xf32, #tpu.memory_space<vmem_shared>>
      tpu.wait_dma2 semaphore(%run_scoped3A : memref<!tpu.dma_semaphore, #tpu.memory_space<semaphore_mem>>) src(%arg17 : memref<64x16xf32, #tpu.memory_space<vmem>>) dst(%dma_wait3A_69 : memref<64x16xf32, #tpu.memory_space<vmem_shared>>)
      tpu.yield
    }) : () -> ()
    %mul3A_21 = arith.constant 640 : i32
    %mul3A_22 = arith.muli %arg1, %mul3A_21 : i32
    %add3A_23 = arith.constant 192 : i32
    %add3A_24 = arith.addi %mul3A_22, %add3A_23 : i32
    "tpu.region"() ({
      %run_scoped3A = tpu.sem_alloc : memref<!tpu.dma_semaphore, #tpu.memory_space<semaphore_mem>>
      %dma_start3A = arith.constant 0 : i32
      %dma_start3A_64 = tpu.memref_slice %arg18[%add3A_24, %dma_start3A] : memref<10240x128xf32, #tpu.memory_space<vmem_shared>> -> memref<64x128xf32, #tpu.memory_space<vmem_shared>>
      %dma_start3A_65 = arith.constant 0 : i32
      %dma_start3A_66 = tpu.memref_slice %arg18[%add3A_24, %dma_start3A_65] : memref<10240x128xf32, #tpu.memory_space<vmem_shared>> -> memref<64x128xf32, #tpu.memory_space<vmem_shared>>
      tpu.enqueue_dma source(%arg16 : memref<64x128xf32, #tpu.memory_space<vmem>>) target(%dma_start3A_66 : memref<64x128xf32, #tpu.memory_space<vmem_shared>>) target_semaphore(%run_scoped3A : memref<!tpu.dma_semaphore, #tpu.memory_space<semaphore_mem>>)
      %dma_wait3A = arith.constant 0 : i32
      %dma_wait3A_67 = tpu.memref_slice %arg18[%add3A_24, %dma_wait3A] : memref<10240x128xf32, #tpu.memory_space<vmem_shared>> -> memref<64x128xf32, #tpu.memory_space<vmem_shared>>
      %dma_wait3A_68 = arith.constant 0 : i32
      %dma_wait3A_69 = tpu.memref_slice %arg18[%add3A_24, %dma_wait3A_68] : memref<10240x128xf32, #tpu.memory_space<vmem_shared>> -> memref<64x128xf32, #tpu.memory_space<vmem_shared>>
      tpu.wait_dma2 semaphore(%run_scoped3A : memref<!tpu.dma_semaphore, #tpu.memory_space<semaphore_mem>>) src(%arg16 : memref<64x128xf32, #tpu.memory_space<vmem>>) dst(%dma_wait3A_69 : memref<64x128xf32, #tpu.memory_space<vmem_shared>>)
      tpu.yield
    }) : () -> ()
    "tpu.region"() ({
      %run_scoped3A = tpu.sem_alloc : memref<!tpu.dma_semaphore, #tpu.memory_space<semaphore_mem>>
      %dma_start3A = arith.constant 0 : i32
      %dma_start3A_64 = tpu.memref_slice %arg19[%add3A_24, %dma_start3A] : memref<10240x16xf32, #tpu.memory_space<vmem_shared>> -> memref<64x16xf32, #tpu.memory_space<vmem_shared>>
      %dma_start3A_65 = arith.constant 0 : i32
      %dma_start3A_66 = tpu.memref_slice %arg19[%add3A_24, %dma_start3A_65] : memref<10240x16xf32, #tpu.memory_space<vmem_shared>> -> memref<64x16xf32, #tpu.memory_space<vmem_shared>>
      tpu.enqueue_dma source(%arg17 : memref<64x16xf32, #tpu.memory_space<vmem>>) target(%dma_start3A_66 : memref<64x16xf32, #tpu.memory_space<vmem_shared>>) target_semaphore(%run_scoped3A : memref<!tpu.dma_semaphore, #tpu.memory_space<semaphore_mem>>)
      %dma_wait3A = arith.constant 0 : i32
      %dma_wait3A_67 = tpu.memref_slice %arg19[%add3A_24, %dma_wait3A] : memref<10240x16xf32, #tpu.memory_space<vmem_shared>> -> memref<64x16xf32, #tpu.memory_space<vmem_shared>>
      %dma_wait3A_68 = arith.constant 0 : i32
      %dma_wait3A_69 = tpu.memref_slice %arg19[%add3A_24, %dma_wait3A_68] : memref<10240x16xf32, #tpu.memory_space<vmem_shared>> -> memref<64x16xf32, #tpu.memory_space<vmem_shared>>
      tpu.wait_dma2 semaphore(%run_scoped3A : memref<!tpu.dma_semaphore, #tpu.memory_space<semaphore_mem>>) src(%arg17 : memref<64x16xf32, #tpu.memory_space<vmem>>) dst(%dma_wait3A_69 : memref<64x16xf32, #tpu.memory_space<vmem_shared>>)
      tpu.yield
    }) : () -> ()
    "tpu.region"() ({
      %run_scoped3A = tpu.sem_alloc : memref<!tpu.dma_semaphore, #tpu.memory_space<semaphore_mem>>
      %dma_start3A = arith.constant 0 : i32
      %dma_start3A_64 = tpu.memref_slice %arg20[%add3A_24, %dma_start3A] : memref<10240x16xf32, #tpu.memory_space<vmem_shared>> -> memref<64x16xf32, #tpu.memory_space<vmem_shared>>
      %dma_start3A_65 = arith.constant 0 : i32
      %dma_start3A_66 = tpu.memref_slice %arg20[%add3A_24, %dma_start3A_65] : memref<10240x16xf32, #tpu.memory_space<vmem_shared>> -> memref<64x16xf32, #tpu.memory_space<vmem_shared>>
      tpu.enqueue_dma source(%arg17 : memref<64x16xf32, #tpu.memory_space<vmem>>) target(%dma_start3A_66 : memref<64x16xf32, #tpu.memory_space<vmem_shared>>) target_semaphore(%run_scoped3A : memref<!tpu.dma_semaphore, #tpu.memory_space<semaphore_mem>>)
      %dma_wait3A = arith.constant 0 : i32
      %dma_wait3A_67 = tpu.memref_slice %arg20[%add3A_24, %dma_wait3A] : memref<10240x16xf32, #tpu.memory_space<vmem_shared>> -> memref<64x16xf32, #tpu.memory_space<vmem_shared>>
      %dma_wait3A_68 = arith.constant 0 : i32
      %dma_wait3A_69 = tpu.memref_slice %arg20[%add3A_24, %dma_wait3A_68] : memref<10240x16xf32, #tpu.memory_space<vmem_shared>> -> memref<64x16xf32, #tpu.memory_space<vmem_shared>>
      tpu.wait_dma2 semaphore(%run_scoped3A : memref<!tpu.dma_semaphore, #tpu.memory_space<semaphore_mem>>) src(%arg17 : memref<64x16xf32, #tpu.memory_space<vmem>>) dst(%dma_wait3A_69 : memref<64x16xf32, #tpu.memory_space<vmem_shared>>)
      tpu.yield
    }) : () -> ()
    %mul3A_25 = arith.constant 640 : i32
    %mul3A_26 = arith.muli %arg1, %mul3A_25 : i32
    %add3A_27 = arith.constant 256 : i32
    %add3A_28 = arith.addi %mul3A_26, %add3A_27 : i32
    "tpu.region"() ({
      %run_scoped3A = tpu.sem_alloc : memref<!tpu.dma_semaphore, #tpu.memory_space<semaphore_mem>>
      %dma_start3A = arith.constant 0 : i32
      %dma_start3A_64 = tpu.memref_slice %arg18[%add3A_28, %dma_start3A] : memref<10240x128xf32, #tpu.memory_space<vmem_shared>> -> memref<64x128xf32, #tpu.memory_space<vmem_shared>>
      %dma_start3A_65 = arith.constant 0 : i32
      %dma_start3A_66 = tpu.memref_slice %arg18[%add3A_28, %dma_start3A_65] : memref<10240x128xf32, #tpu.memory_space<vmem_shared>> -> memref<64x128xf32, #tpu.memory_space<vmem_shared>>
      tpu.enqueue_dma source(%arg16 : memref<64x128xf32, #tpu.memory_space<vmem>>) target(%dma_start3A_66 : memref<64x128xf32, #tpu.memory_space<vmem_shared>>) target_semaphore(%run_scoped3A : memref<!tpu.dma_semaphore, #tpu.memory_space<semaphore_mem>>)
      %dma_wait3A = arith.constant 0 : i32
      %dma_wait3A_67 = tpu.memref_slice %arg18[%add3A_28, %dma_wait3A] : memref<10240x128xf32, #tpu.memory_space<vmem_shared>> -> memref<64x128xf32, #tpu.memory_space<vmem_shared>>
      %dma_wait3A_68 = arith.constant 0 : i32
      %dma_wait3A_69 = tpu.memref_slice %arg18[%add3A_28, %dma_wait3A_68] : memref<10240x128xf32, #tpu.memory_space<vmem_shared>> -> memref<64x128xf32, #tpu.memory_space<vmem_shared>>
      tpu.wait_dma2 semaphore(%run_scoped3A : memref<!tpu.dma_semaphore, #tpu.memory_space<semaphore_mem>>) src(%arg16 : memref<64x128xf32, #tpu.memory_space<vmem>>) dst(%dma_wait3A_69 : memref<64x128xf32, #tpu.memory_space<vmem_shared>>)
      tpu.yield
    }) : () -> ()
    "tpu.region"() ({
      %run_scoped3A = tpu.sem_alloc : memref<!tpu.dma_semaphore, #tpu.memory_space<semaphore_mem>>
      %dma_start3A = arith.constant 0 : i32
      %dma_start3A_64 = tpu.memref_slice %arg19[%add3A_28, %dma_start3A] : memref<10240x16xf32, #tpu.memory_space<vmem_shared>> -> memref<64x16xf32, #tpu.memory_space<vmem_shared>>
      %dma_start3A_65 = arith.constant 0 : i32
      %dma_start3A_66 = tpu.memref_slice %arg19[%add3A_28, %dma_start3A_65] : memref<10240x16xf32, #tpu.memory_space<vmem_shared>> -> memref<64x16xf32, #tpu.memory_space<vmem_shared>>
      tpu.enqueue_dma source(%arg17 : memref<64x16xf32, #tpu.memory_space<vmem>>) target(%dma_start3A_66 : memref<64x16xf32, #tpu.memory_space<vmem_shared>>) target_semaphore(%run_scoped3A : memref<!tpu.dma_semaphore, #tpu.memory_space<semaphore_mem>>)
      %dma_wait3A = arith.constant 0 : i32
      %dma_wait3A_67 = tpu.memref_slice %arg19[%add3A_28, %dma_wait3A] : memref<10240x16xf32, #tpu.memory_space<vmem_shared>> -> memref<64x16xf32, #tpu.memory_space<vmem_shared>>
      %dma_wait3A_68 = arith.constant 0 : i32
      %dma_wait3A_69 = tpu.memref_slice %arg19[%add3A_28, %dma_wait3A_68] : memref<10240x16xf32, #tpu.memory_space<vmem_shared>> -> memref<64x16xf32, #tpu.memory_space<vmem_shared>>
      tpu.wait_dma2 semaphore(%run_scoped3A : memref<!tpu.dma_semaphore, #tpu.memory_space<semaphore_mem>>) src(%arg17 : memref<64x16xf32, #tpu.memory_space<vmem>>) dst(%dma_wait3A_69 : memref<64x16xf32, #tpu.memory_space<vmem_shared>>)
      tpu.yield
    }) : () -> ()
    "tpu.region"() ({
      %run_scoped3A = tpu.sem_alloc : memref<!tpu.dma_semaphore, #tpu.memory_space<semaphore_mem>>
      %dma_start3A = arith.constant 0 : i32
      %dma_start3A_64 = tpu.memref_slice %arg20[%add3A_28, %dma_start3A] : memref<10240x16xf32, #tpu.memory_space<vmem_shared>> -> memref<64x16xf32, #tpu.memory_space<vmem_shared>>
      %dma_start3A_65 = arith.constant 0 : i32
      %dma_start3A_66 = tpu.memref_slice %arg20[%add3A_28, %dma_start3A_65] : memref<10240x16xf32, #tpu.memory_space<vmem_shared>> -> memref<64x16xf32, #tpu.memory_space<vmem_shared>>
      tpu.enqueue_dma source(%arg17 : memref<64x16xf32, #tpu.memory_space<vmem>>) target(%dma_start3A_66 : memref<64x16xf32, #tpu.memory_space<vmem_shared>>) target_semaphore(%run_scoped3A : memref<!tpu.dma_semaphore, #tpu.memory_space<semaphore_mem>>)
      %dma_wait3A = arith.constant 0 : i32
      %dma_wait3A_67 = tpu.memref_slice %arg20[%add3A_28, %dma_wait3A] : memref<10240x16xf32, #tpu.memory_space<vmem_shared>> -> memref<64x16xf32, #tpu.memory_space<vmem_shared>>
      %dma_wait3A_68 = arith.constant 0 : i32
      %dma_wait3A_69 = tpu.memref_slice %arg20[%add3A_28, %dma_wait3A_68] : memref<10240x16xf32, #tpu.memory_space<vmem_shared>> -> memref<64x16xf32, #tpu.memory_space<vmem_shared>>
      tpu.wait_dma2 semaphore(%run_scoped3A : memref<!tpu.dma_semaphore, #tpu.memory_space<semaphore_mem>>) src(%arg17 : memref<64x16xf32, #tpu.memory_space<vmem>>) dst(%dma_wait3A_69 : memref<64x16xf32, #tpu.memory_space<vmem_shared>>)
      tpu.yield
    }) : () -> ()
    %mul3A_29 = arith.constant 640 : i32
    %mul3A_30 = arith.muli %arg1, %mul3A_29 : i32
    %add3A_31 = arith.constant 320 : i32
    %add3A_32 = arith.addi %mul3A_30, %add3A_31 : i32
    "tpu.region"() ({
      %run_scoped3A = tpu.sem_alloc : memref<!tpu.dma_semaphore, #tpu.memory_space<semaphore_mem>>
      %dma_start3A = arith.constant 0 : i32
      %dma_start3A_64 = tpu.memref_slice %arg18[%add3A_32, %dma_start3A] : memref<10240x128xf32, #tpu.memory_space<vmem_shared>> -> memref<64x128xf32, #tpu.memory_space<vmem_shared>>
      %dma_start3A_65 = arith.constant 0 : i32
      %dma_start3A_66 = tpu.memref_slice %arg18[%add3A_32, %dma_start3A_65] : memref<10240x128xf32, #tpu.memory_space<vmem_shared>> -> memref<64x128xf32, #tpu.memory_space<vmem_shared>>
      tpu.enqueue_dma source(%arg16 : memref<64x128xf32, #tpu.memory_space<vmem>>) target(%dma_start3A_66 : memref<64x128xf32, #tpu.memory_space<vmem_shared>>) target_semaphore(%run_scoped3A : memref<!tpu.dma_semaphore, #tpu.memory_space<semaphore_mem>>)
      %dma_wait3A = arith.constant 0 : i32
      %dma_wait3A_67 = tpu.memref_slice %arg18[%add3A_32, %dma_wait3A] : memref<10240x128xf32, #tpu.memory_space<vmem_shared>> -> memref<64x128xf32, #tpu.memory_space<vmem_shared>>
      %dma_wait3A_68 = arith.constant 0 : i32
      %dma_wait3A_69 = tpu.memref_slice %arg18[%add3A_32, %dma_wait3A_68] : memref<10240x128xf32, #tpu.memory_space<vmem_shared>> -> memref<64x128xf32, #tpu.memory_space<vmem_shared>>
      tpu.wait_dma2 semaphore(%run_scoped3A : memref<!tpu.dma_semaphore, #tpu.memory_space<semaphore_mem>>) src(%arg16 : memref<64x128xf32, #tpu.memory_space<vmem>>) dst(%dma_wait3A_69 : memref<64x128xf32, #tpu.memory_space<vmem_shared>>)
      tpu.yield
    }) : () -> ()
    "tpu.region"() ({
      %run_scoped3A = tpu.sem_alloc : memref<!tpu.dma_semaphore, #tpu.memory_space<semaphore_mem>>
      %dma_start3A = arith.constant 0 : i32
      %dma_start3A_64 = tpu.memref_slice %arg19[%add3A_32, %dma_start3A] : memref<10240x16xf32, #tpu.memory_space<vmem_shared>> -> memref<64x16xf32, #tpu.memory_space<vmem_shared>>
      %dma_start3A_65 = arith.constant 0 : i32
      %dma_start3A_66 = tpu.memref_slice %arg19[%add3A_32, %dma_start3A_65] : memref<10240x16xf32, #tpu.memory_space<vmem_shared>> -> memref<64x16xf32, #tpu.memory_space<vmem_shared>>
      tpu.enqueue_dma source(%arg17 : memref<64x16xf32, #tpu.memory_space<vmem>>) target(%dma_start3A_66 : memref<64x16xf32, #tpu.memory_space<vmem_shared>>) target_semaphore(%run_scoped3A : memref<!tpu.dma_semaphore, #tpu.memory_space<semaphore_mem>>)
      %dma_wait3A = arith.constant 0 : i32
      %dma_wait3A_67 = tpu.memref_slice %arg19[%add3A_32, %dma_wait3A] : memref<10240x16xf32, #tpu.memory_space<vmem_shared>> -> memref<64x16xf32, #tpu.memory_space<vmem_shared>>
      %dma_wait3A_68 = arith.constant 0 : i32
      %dma_wait3A_69 = tpu.memref_slice %arg19[%add3A_32, %dma_wait3A_68] : memref<10240x16xf32, #tpu.memory_space<vmem_shared>> -> memref<64x16xf32, #tpu.memory_space<vmem_shared>>
      tpu.wait_dma2 semaphore(%run_scoped3A : memref<!tpu.dma_semaphore, #tpu.memory_space<semaphore_mem>>) src(%arg17 : memref<64x16xf32, #tpu.memory_space<vmem>>) dst(%dma_wait3A_69 : memref<64x16xf32, #tpu.memory_space<vmem_shared>>)
      tpu.yield
    }) : () -> ()
    "tpu.region"() ({
      %run_scoped3A = tpu.sem_alloc : memref<!tpu.dma_semaphore, #tpu.memory_space<semaphore_mem>>
      %dma_start3A = arith.constant 0 : i32
      %dma_start3A_64 = tpu.memref_slice %arg20[%add3A_32, %dma_start3A] : memref<10240x16xf32, #tpu.memory_space<vmem_shared>> -> memref<64x16xf32, #tpu.memory_space<vmem_shared>>
      %dma_start3A_65 = arith.constant 0 : i32
      %dma_start3A_66 = tpu.memref_slice %arg20[%add3A_32, %dma_start3A_65] : memref<10240x16xf32, #tpu.memory_space<vmem_shared>> -> memref<64x16xf32, #tpu.memory_space<vmem_shared>>
      tpu.enqueue_dma source(%arg17 : memref<64x16xf32, #tpu.memory_space<vmem>>) target(%dma_start3A_66 : memref<64x16xf32, #tpu.memory_space<vmem_shared>>) target_semaphore(%run_scoped3A : memref<!tpu.dma_semaphore, #tpu.memory_space<semaphore_mem>>)
      %dma_wait3A = arith.constant 0 : i32
      %dma_wait3A_67 = tpu.memref_slice %arg20[%add3A_32, %dma_wait3A] : memref<10240x16xf32, #tpu.memory_space<vmem_shared>> -> memref<64x16xf32, #tpu.memory_space<vmem_shared>>
      %dma_wait3A_68 = arith.constant 0 : i32
      %dma_wait3A_69 = tpu.memref_slice %arg20[%add3A_32, %dma_wait3A_68] : memref<10240x16xf32, #tpu.memory_space<vmem_shared>> -> memref<64x16xf32, #tpu.memory_space<vmem_shared>>
      tpu.wait_dma2 semaphore(%run_scoped3A : memref<!tpu.dma_semaphore, #tpu.memory_space<semaphore_mem>>) src(%arg17 : memref<64x16xf32, #tpu.memory_space<vmem>>) dst(%dma_wait3A_69 : memref<64x16xf32, #tpu.memory_space<vmem_shared>>)
      tpu.yield
    }) : () -> ()
    %mul3A_33 = arith.constant 640 : i32
    %mul3A_34 = arith.muli %arg1, %mul3A_33 : i32
    %add3A_35 = arith.constant 384 : i32
    %add3A_36 = arith.addi %mul3A_34, %add3A_35 : i32
    "tpu.region"() ({
      %run_scoped3A = tpu.sem_alloc : memref<!tpu.dma_semaphore, #tpu.memory_space<semaphore_mem>>
      %dma_start3A = arith.constant 0 : i32
      %dma_start3A_64 = tpu.memref_slice %arg18[%add3A_36, %dma_start3A] : memref<10240x128xf32, #tpu.memory_space<vmem_shared>> -> memref<64x128xf32, #tpu.memory_space<vmem_shared>>
      %dma_start3A_65 = arith.constant 0 : i32
      %dma_start3A_66 = tpu.memref_slice %arg18[%add3A_36, %dma_start3A_65] : memref<10240x128xf32, #tpu.memory_space<vmem_shared>> -> memref<64x128xf32, #tpu.memory_space<vmem_shared>>
      tpu.enqueue_dma source(%arg16 : memref<64x128xf32, #tpu.memory_space<vmem>>) target(%dma_start3A_66 : memref<64x128xf32, #tpu.memory_space<vmem_shared>>) target_semaphore(%run_scoped3A : memref<!tpu.dma_semaphore, #tpu.memory_space<semaphore_mem>>)
      %dma_wait3A = arith.constant 0 : i32
      %dma_wait3A_67 = tpu.memref_slice %arg18[%add3A_36, %dma_wait3A] : memref<10240x128xf32, #tpu.memory_space<vmem_shared>> -> memref<64x128xf32, #tpu.memory_space<vmem_shared>>
      %dma_wait3A_68 = arith.constant 0 : i32
      %dma_wait3A_69 = tpu.memref_slice %arg18[%add3A_36, %dma_wait3A_68] : memref<10240x128xf32, #tpu.memory_space<vmem_shared>> -> memref<64x128xf32, #tpu.memory_space<vmem_shared>>
      tpu.wait_dma2 semaphore(%run_scoped3A : memref<!tpu.dma_semaphore, #tpu.memory_space<semaphore_mem>>) src(%arg16 : memref<64x128xf32, #tpu.memory_space<vmem>>) dst(%dma_wait3A_69 : memref<64x128xf32, #tpu.memory_space<vmem_shared>>)
      tpu.yield
    }) : () -> ()
    "tpu.region"() ({
      %run_scoped3A = tpu.sem_alloc : memref<!tpu.dma_semaphore, #tpu.memory_space<semaphore_mem>>
      %dma_start3A = arith.constant 0 : i32
      %dma_start3A_64 = tpu.memref_slice %arg19[%add3A_36, %dma_start3A] : memref<10240x16xf32, #tpu.memory_space<vmem_shared>> -> memref<64x16xf32, #tpu.memory_space<vmem_shared>>
      %dma_start3A_65 = arith.constant 0 : i32
      %dma_start3A_66 = tpu.memref_slice %arg19[%add3A_36, %dma_start3A_65] : memref<10240x16xf32, #tpu.memory_space<vmem_shared>> -> memref<64x16xf32, #tpu.memory_space<vmem_shared>>
      tpu.enqueue_dma source(%arg17 : memref<64x16xf32, #tpu.memory_space<vmem>>) target(%dma_start3A_66 : memref<64x16xf32, #tpu.memory_space<vmem_shared>>) target_semaphore(%run_scoped3A : memref<!tpu.dma_semaphore, #tpu.memory_space<semaphore_mem>>)
      %dma_wait3A = arith.constant 0 : i32
      %dma_wait3A_67 = tpu.memref_slice %arg19[%add3A_36, %dma_wait3A] : memref<10240x16xf32, #tpu.memory_space<vmem_shared>> -> memref<64x16xf32, #tpu.memory_space<vmem_shared>>
      %dma_wait3A_68 = arith.constant 0 : i32
      %dma_wait3A_69 = tpu.memref_slice %arg19[%add3A_36, %dma_wait3A_68] : memref<10240x16xf32, #tpu.memory_space<vmem_shared>> -> memref<64x16xf32, #tpu.memory_space<vmem_shared>>
      tpu.wait_dma2 semaphore(%run_scoped3A : memref<!tpu.dma_semaphore, #tpu.memory_space<semaphore_mem>>) src(%arg17 : memref<64x16xf32, #tpu.memory_space<vmem>>) dst(%dma_wait3A_69 : memref<64x16xf32, #tpu.memory_space<vmem_shared>>)
      tpu.yield
    }) : () -> ()
    "tpu.region"() ({
      %run_scoped3A = tpu.sem_alloc : memref<!tpu.dma_semaphore, #tpu.memory_space<semaphore_mem>>
      %dma_start3A = arith.constant 0 : i32
      %dma_start3A_64 = tpu.memref_slice %arg20[%add3A_36, %dma_start3A] : memref<10240x16xf32, #tpu.memory_space<vmem_shared>> -> memref<64x16xf32, #tpu.memory_space<vmem_shared>>
      %dma_start3A_65 = arith.constant 0 : i32
      %dma_start3A_66 = tpu.memref_slice %arg20[%add3A_36, %dma_start3A_65] : memref<10240x16xf32, #tpu.memory_space<vmem_shared>> -> memref<64x16xf32, #tpu.memory_space<vmem_shared>>
      tpu.enqueue_dma source(%arg17 : memref<64x16xf32, #tpu.memory_space<vmem>>) target(%dma_start3A_66 : memref<64x16xf32, #tpu.memory_space<vmem_shared>>) target_semaphore(%run_scoped3A : memref<!tpu.dma_semaphore, #tpu.memory_space<semaphore_mem>>)
      %dma_wait3A = arith.constant 0 : i32
      %dma_wait3A_67 = tpu.memref_slice %arg20[%add3A_36, %dma_wait3A] : memref<10240x16xf32, #tpu.memory_space<vmem_shared>> -> memref<64x16xf32, #tpu.memory_space<vmem_shared>>
      %dma_wait3A_68 = arith.constant 0 : i32
      %dma_wait3A_69 = tpu.memref_slice %arg20[%add3A_36, %dma_wait3A_68] : memref<10240x16xf32, #tpu.memory_space<vmem_shared>> -> memref<64x16xf32, #tpu.memory_space<vmem_shared>>
      tpu.wait_dma2 semaphore(%run_scoped3A : memref<!tpu.dma_semaphore, #tpu.memory_space<semaphore_mem>>) src(%arg17 : memref<64x16xf32, #tpu.memory_space<vmem>>) dst(%dma_wait3A_69 : memref<64x16xf32, #tpu.memory_space<vmem_shared>>)
      tpu.yield
    }) : () -> ()
    %mul3A_37 = arith.constant 640 : i32
    %mul3A_38 = arith.muli %arg1, %mul3A_37 : i32
    %add3A_39 = arith.constant 448 : i32
    %add3A_40 = arith.addi %mul3A_38, %add3A_39 : i32
    "tpu.region"() ({
      %run_scoped3A = tpu.sem_alloc : memref<!tpu.dma_semaphore, #tpu.memory_space<semaphore_mem>>
      %dma_start3A = arith.constant 0 : i32
      %dma_start3A_64 = tpu.memref_slice %arg18[%add3A_40, %dma_start3A] : memref<10240x128xf32, #tpu.memory_space<vmem_shared>> -> memref<64x128xf32, #tpu.memory_space<vmem_shared>>
      %dma_start3A_65 = arith.constant 0 : i32
      %dma_start3A_66 = tpu.memref_slice %arg18[%add3A_40, %dma_start3A_65] : memref<10240x128xf32, #tpu.memory_space<vmem_shared>> -> memref<64x128xf32, #tpu.memory_space<vmem_shared>>
      tpu.enqueue_dma source(%arg16 : memref<64x128xf32, #tpu.memory_space<vmem>>) target(%dma_start3A_66 : memref<64x128xf32, #tpu.memory_space<vmem_shared>>) target_semaphore(%run_scoped3A : memref<!tpu.dma_semaphore, #tpu.memory_space<semaphore_mem>>)
      %dma_wait3A = arith.constant 0 : i32
      %dma_wait3A_67 = tpu.memref_slice %arg18[%add3A_40, %dma_wait3A] : memref<10240x128xf32, #tpu.memory_space<vmem_shared>> -> memref<64x128xf32, #tpu.memory_space<vmem_shared>>
      %dma_wait3A_68 = arith.constant 0 : i32
      %dma_wait3A_69 = tpu.memref_slice %arg18[%add3A_40, %dma_wait3A_68] : memref<10240x128xf32, #tpu.memory_space<vmem_shared>> -> memref<64x128xf32, #tpu.memory_space<vmem_shared>>
      tpu.wait_dma2 semaphore(%run_scoped3A : memref<!tpu.dma_semaphore, #tpu.memory_space<semaphore_mem>>) src(%arg16 : memref<64x128xf32, #tpu.memory_space<vmem>>) dst(%dma_wait3A_69 : memref<64x128xf32, #tpu.memory_space<vmem_shared>>)
      tpu.yield
    }) : () -> ()
    "tpu.region"() ({
      %run_scoped3A = tpu.sem_alloc : memref<!tpu.dma_semaphore, #tpu.memory_space<semaphore_mem>>
      %dma_start3A = arith.constant 0 : i32
      %dma_start3A_64 = tpu.memref_slice %arg19[%add3A_40, %dma_start3A] : memref<10240x16xf32, #tpu.memory_space<vmem_shared>> -> memref<64x16xf32, #tpu.memory_space<vmem_shared>>
      %dma_start3A_65 = arith.constant 0 : i32
      %dma_start3A_66 = tpu.memref_slice %arg19[%add3A_40, %dma_start3A_65] : memref<10240x16xf32, #tpu.memory_space<vmem_shared>> -> memref<64x16xf32, #tpu.memory_space<vmem_shared>>
      tpu.enqueue_dma source(%arg17 : memref<64x16xf32, #tpu.memory_space<vmem>>) target(%dma_start3A_66 : memref<64x16xf32, #tpu.memory_space<vmem_shared>>) target_semaphore(%run_scoped3A : memref<!tpu.dma_semaphore, #tpu.memory_space<semaphore_mem>>)
      %dma_wait3A = arith.constant 0 : i32
      %dma_wait3A_67 = tpu.memref_slice %arg19[%add3A_40, %dma_wait3A] : memref<10240x16xf32, #tpu.memory_space<vmem_shared>> -> memref<64x16xf32, #tpu.memory_space<vmem_shared>>
      %dma_wait3A_68 = arith.constant 0 : i32
      %dma_wait3A_69 = tpu.memref_slice %arg19[%add3A_40, %dma_wait3A_68] : memref<10240x16xf32, #tpu.memory_space<vmem_shared>> -> memref<64x16xf32, #tpu.memory_space<vmem_shared>>
      tpu.wait_dma2 semaphore(%run_scoped3A : memref<!tpu.dma_semaphore, #tpu.memory_space<semaphore_mem>>) src(%arg17 : memref<64x16xf32, #tpu.memory_space<vmem>>) dst(%dma_wait3A_69 : memref<64x16xf32, #tpu.memory_space<vmem_shared>>)
      tpu.yield
    }) : () -> ()
    "tpu.region"() ({
      %run_scoped3A = tpu.sem_alloc : memref<!tpu.dma_semaphore, #tpu.memory_space<semaphore_mem>>
      %dma_start3A = arith.constant 0 : i32
      %dma_start3A_64 = tpu.memref_slice %arg20[%add3A_40, %dma_start3A] : memref<10240x16xf32, #tpu.memory_space<vmem_shared>> -> memref<64x16xf32, #tpu.memory_space<vmem_shared>>
      %dma_start3A_65 = arith.constant 0 : i32
      %dma_start3A_66 = tpu.memref_slice %arg20[%add3A_40, %dma_start3A_65] : memref<10240x16xf32, #tpu.memory_space<vmem_shared>> -> memref<64x16xf32, #tpu.memory_space<vmem_shared>>
      tpu.enqueue_dma source(%arg17 : memref<64x16xf32, #tpu.memory_space<vmem>>) target(%dma_start3A_66 : memref<64x16xf32, #tpu.memory_space<vmem_shared>>) target_semaphore(%run_scoped3A : memref<!tpu.dma_semaphore, #tpu.memory_space<semaphore_mem>>)
      %dma_wait3A = arith.constant 0 : i32
      %dma_wait3A_67 = tpu.memref_slice %arg20[%add3A_40, %dma_wait3A] : memref<10240x16xf32, #tpu.memory_space<vmem_shared>> -> memref<64x16xf32, #tpu.memory_space<vmem_shared>>
      %dma_wait3A_68 = arith.constant 0 : i32
      %dma_wait3A_69 = tpu.memref_slice %arg20[%add3A_40, %dma_wait3A_68] : memref<10240x16xf32, #tpu.memory_space<vmem_shared>> -> memref<64x16xf32, #tpu.memory_space<vmem_shared>>
      tpu.wait_dma2 semaphore(%run_scoped3A : memref<!tpu.dma_semaphore, #tpu.memory_space<semaphore_mem>>) src(%arg17 : memref<64x16xf32, #tpu.memory_space<vmem>>) dst(%dma_wait3A_69 : memref<64x16xf32, #tpu.memory_space<vmem_shared>>)
      tpu.yield
    }) : () -> ()
    %mul3A_41 = arith.constant 640 : i32
    %mul3A_42 = arith.muli %arg1, %mul3A_41 : i32
    %add3A_43 = arith.constant 512 : i32
    %add3A_44 = arith.addi %mul3A_42, %add3A_43 : i32
    "tpu.region"() ({
      %run_scoped3A = tpu.sem_alloc : memref<!tpu.dma_semaphore, #tpu.memory_space<semaphore_mem>>
      %dma_start3A = arith.constant 0 : i32
      %dma_start3A_64 = tpu.memref_slice %arg18[%add3A_44, %dma_start3A] : memref<10240x128xf32, #tpu.memory_space<vmem_shared>> -> memref<64x128xf32, #tpu.memory_space<vmem_shared>>
      %dma_start3A_65 = arith.constant 0 : i32
      %dma_start3A_66 = tpu.memref_slice %arg18[%add3A_44, %dma_start3A_65] : memref<10240x128xf32, #tpu.memory_space<vmem_shared>> -> memref<64x128xf32, #tpu.memory_space<vmem_shared>>
      tpu.enqueue_dma source(%arg16 : memref<64x128xf32, #tpu.memory_space<vmem>>) target(%dma_start3A_66 : memref<64x128xf32, #tpu.memory_space<vmem_shared>>) target_semaphore(%run_scoped3A : memref<!tpu.dma_semaphore, #tpu.memory_space<semaphore_mem>>)
      %dma_wait3A = arith.constant 0 : i32
      %dma_wait3A_67 = tpu.memref_slice %arg18[%add3A_44, %dma_wait3A] : memref<10240x128xf32, #tpu.memory_space<vmem_shared>> -> memref<64x128xf32, #tpu.memory_space<vmem_shared>>
      %dma_wait3A_68 = arith.constant 0 : i32
      %dma_wait3A_69 = tpu.memref_slice %arg18[%add3A_44, %dma_wait3A_68] : memref<10240x128xf32, #tpu.memory_space<vmem_shared>> -> memref<64x128xf32, #tpu.memory_space<vmem_shared>>
      tpu.wait_dma2 semaphore(%run_scoped3A : memref<!tpu.dma_semaphore, #tpu.memory_space<semaphore_mem>>) src(%arg16 : memref<64x128xf32, #tpu.memory_space<vmem>>) dst(%dma_wait3A_69 : memref<64x128xf32, #tpu.memory_space<vmem_shared>>)
      tpu.yield
    }) : () -> ()
    "tpu.region"() ({
      %run_scoped3A = tpu.sem_alloc : memref<!tpu.dma_semaphore, #tpu.memory_space<semaphore_mem>>
      %dma_start3A = arith.constant 0 : i32
      %dma_start3A_64 = tpu.memref_slice %arg19[%add3A_44, %dma_start3A] : memref<10240x16xf32, #tpu.memory_space<vmem_shared>> -> memref<64x16xf32, #tpu.memory_space<vmem_shared>>
      %dma_start3A_65 = arith.constant 0 : i32
      %dma_start3A_66 = tpu.memref_slice %arg19[%add3A_44, %dma_start3A_65] : memref<10240x16xf32, #tpu.memory_space<vmem_shared>> -> memref<64x16xf32, #tpu.memory_space<vmem_shared>>
      tpu.enqueue_dma source(%arg17 : memref<64x16xf32, #tpu.memory_space<vmem>>) target(%dma_start3A_66 : memref<64x16xf32, #tpu.memory_space<vmem_shared>>) target_semaphore(%run_scoped3A : memref<!tpu.dma_semaphore, #tpu.memory_space<semaphore_mem>>)
      %dma_wait3A = arith.constant 0 : i32
      %dma_wait3A_67 = tpu.memref_slice %arg19[%add3A_44, %dma_wait3A] : memref<10240x16xf32, #tpu.memory_space<vmem_shared>> -> memref<64x16xf32, #tpu.memory_space<vmem_shared>>
      %dma_wait3A_68 = arith.constant 0 : i32
      %dma_wait3A_69 = tpu.memref_slice %arg19[%add3A_44, %dma_wait3A_68] : memref<10240x16xf32, #tpu.memory_space<vmem_shared>> -> memref<64x16xf32, #tpu.memory_space<vmem_shared>>
      tpu.wait_dma2 semaphore(%run_scoped3A : memref<!tpu.dma_semaphore, #tpu.memory_space<semaphore_mem>>) src(%arg17 : memref<64x16xf32, #tpu.memory_space<vmem>>) dst(%dma_wait3A_69 : memref<64x16xf32, #tpu.memory_space<vmem_shared>>)
      tpu.yield
    }) : () -> ()
    "tpu.region"() ({
      %run_scoped3A = tpu.sem_alloc : memref<!tpu.dma_semaphore, #tpu.memory_space<semaphore_mem>>
      %dma_start3A = arith.constant 0 : i32
      %dma_start3A_64 = tpu.memref_slice %arg20[%add3A_44, %dma_start3A] : memref<10240x16xf32, #tpu.memory_space<vmem_shared>> -> memref<64x16xf32, #tpu.memory_space<vmem_shared>>
      %dma_start3A_65 = arith.constant 0 : i32
      %dma_start3A_66 = tpu.memref_slice %arg20[%add3A_44, %dma_start3A_65] : memref<10240x16xf32, #tpu.memory_space<vmem_shared>> -> memref<64x16xf32, #tpu.memory_space<vmem_shared>>
      tpu.enqueue_dma source(%arg17 : memref<64x16xf32, #tpu.memory_space<vmem>>) target(%dma_start3A_66 : memref<64x16xf32, #tpu.memory_space<vmem_shared>>) target_semaphore(%run_scoped3A : memref<!tpu.dma_semaphore, #tpu.memory_space<semaphore_mem>>)
      %dma_wait3A = arith.constant 0 : i32
      %dma_wait3A_67 = tpu.memref_slice %arg20[%add3A_44, %dma_wait3A] : memref<10240x16xf32, #tpu.memory_space<vmem_shared>> -> memref<64x16xf32, #tpu.memory_space<vmem_shared>>
      %dma_wait3A_68 = arith.constant 0 : i32
      %dma_wait3A_69 = tpu.memref_slice %arg20[%add3A_44, %dma_wait3A_68] : memref<10240x16xf32, #tpu.memory_space<vmem_shared>> -> memref<64x16xf32, #tpu.memory_space<vmem_shared>>
      tpu.wait_dma2 semaphore(%run_scoped3A : memref<!tpu.dma_semaphore, #tpu.memory_space<semaphore_mem>>) src(%arg17 : memref<64x16xf32, #tpu.memory_space<vmem>>) dst(%dma_wait3A_69 : memref<64x16xf32, #tpu.memory_space<vmem_shared>>)
      tpu.yield
    }) : () -> ()
    %mul3A_45 = arith.constant 640 : i32
    %mul3A_46 = arith.muli %arg1, %mul3A_45 : i32
    %add3A_47 = arith.constant 576 : i32
    %add3A_48 = arith.addi %mul3A_46, %add3A_47 : i32
    "tpu.region"() ({
      %run_scoped3A = tpu.sem_alloc : memref<!tpu.dma_semaphore, #tpu.memory_space<semaphore_mem>>
      %dma_start3A = arith.constant 0 : i32
      %dma_start3A_64 = tpu.memref_slice %arg18[%add3A_48, %dma_start3A] : memref<10240x128xf32, #tpu.memory_space<vmem_shared>> -> memref<64x128xf32, #tpu.memory_space<vmem_shared>>
      %dma_start3A_65 = arith.constant 0 : i32
      %dma_start3A_66 = tpu.memref_slice %arg18[%add3A_48, %dma_start3A_65] : memref<10240x128xf32, #tpu.memory_space<vmem_shared>> -> memref<64x128xf32, #tpu.memory_space<vmem_shared>>
      tpu.enqueue_dma source(%arg16 : memref<64x128xf32, #tpu.memory_space<vmem>>) target(%dma_start3A_66 : memref<64x128xf32, #tpu.memory_space<vmem_shared>>) target_semaphore(%run_scoped3A : memref<!tpu.dma_semaphore, #tpu.memory_space<semaphore_mem>>)
      %dma_wait3A = arith.constant 0 : i32
      %dma_wait3A_67 = tpu.memref_slice %arg18[%add3A_48, %dma_wait3A] : memref<10240x128xf32, #tpu.memory_space<vmem_shared>> -> memref<64x128xf32, #tpu.memory_space<vmem_shared>>
      %dma_wait3A_68 = arith.constant 0 : i32
      %dma_wait3A_69 = tpu.memref_slice %arg18[%add3A_48, %dma_wait3A_68] : memref<10240x128xf32, #tpu.memory_space<vmem_shared>> -> memref<64x128xf32, #tpu.memory_space<vmem_shared>>
      tpu.wait_dma2 semaphore(%run_scoped3A : memref<!tpu.dma_semaphore, #tpu.memory_space<semaphore_mem>>) src(%arg16 : memref<64x128xf32, #tpu.memory_space<vmem>>) dst(%dma_wait3A_69 : memref<64x128xf32, #tpu.memory_space<vmem_shared>>)
      tpu.yield
    }) : () -> ()
    "tpu.region"() ({
      %run_scoped3A = tpu.sem_alloc : memref<!tpu.dma_semaphore, #tpu.memory_space<semaphore_mem>>
      %dma_start3A = arith.constant 0 : i32
      %dma_start3A_64 = tpu.memref_slice %arg19[%add3A_48, %dma_start3A] : memref<10240x16xf32, #tpu.memory_space<vmem_shared>> -> memref<64x16xf32, #tpu.memory_space<vmem_shared>>
      %dma_start3A_65 = arith.constant 0 : i32
      %dma_start3A_66 = tpu.memref_slice %arg19[%add3A_48, %dma_start3A_65] : memref<10240x16xf32, #tpu.memory_space<vmem_shared>> -> memref<64x16xf32, #tpu.memory_space<vmem_shared>>
      tpu.enqueue_dma source(%arg17 : memref<64x16xf32, #tpu.memory_space<vmem>>) target(%dma_start3A_66 : memref<64x16xf32, #tpu.memory_space<vmem_shared>>) target_semaphore(%run_scoped3A : memref<!tpu.dma_semaphore, #tpu.memory_space<semaphore_mem>>)
      %dma_wait3A = arith.constant 0 : i32
      %dma_wait3A_67 = tpu.memref_slice %arg19[%add3A_48, %dma_wait3A] : memref<10240x16xf32, #tpu.memory_space<vmem_shared>> -> memref<64x16xf32, #tpu.memory_space<vmem_shared>>
      %dma_wait3A_68 = arith.constant 0 : i32
      %dma_wait3A_69 = tpu.memref_slice %arg19[%add3A_48, %dma_wait3A_68] : memref<10240x16xf32, #tpu.memory_space<vmem_shared>> -> memref<64x16xf32, #tpu.memory_space<vmem_shared>>
      tpu.wait_dma2 semaphore(%run_scoped3A : memref<!tpu.dma_semaphore, #tpu.memory_space<semaphore_mem>>) src(%arg17 : memref<64x16xf32, #tpu.memory_space<vmem>>) dst(%dma_wait3A_69 : memref<64x16xf32, #tpu.memory_space<vmem_shared>>)
      tpu.yield
    }) : () -> ()
    "tpu.region"() ({
      %run_scoped3A = tpu.sem_alloc : memref<!tpu.dma_semaphore, #tpu.memory_space<semaphore_mem>>
      %dma_start3A = arith.constant 0 : i32
      %dma_start3A_64 = tpu.memref_slice %arg20[%add3A_48, %dma_start3A] : memref<10240x16xf32, #tpu.memory_space<vmem_shared>> -> memref<64x16xf32, #tpu.memory_space<vmem_shared>>
      %dma_start3A_65 = arith.constant 0 : i32
      %dma_start3A_66 = tpu.memref_slice %arg20[%add3A_48, %dma_start3A_65] : memref<10240x16xf32, #tpu.memory_space<vmem_shared>> -> memref<64x16xf32, #tpu.memory_space<vmem_shared>>
      tpu.enqueue_dma source(%arg17 : memref<64x16xf32, #tpu.memory_space<vmem>>) target(%dma_start3A_66 : memref<64x16xf32, #tpu.memory_space<vmem_shared>>) target_semaphore(%run_scoped3A : memref<!tpu.dma_semaphore, #tpu.memory_space<semaphore_mem>>)
      %dma_wait3A = arith.constant 0 : i32
      %dma_wait3A_67 = tpu.memref_slice %arg20[%add3A_48, %dma_wait3A] : memref<10240x16xf32, #tpu.memory_space<vmem_shared>> -> memref<64x16xf32, #tpu.memory_space<vmem_shared>>
      %dma_wait3A_68 = arith.constant 0 : i32
      %dma_wait3A_69 = tpu.memref_slice %arg20[%add3A_48, %dma_wait3A_68] : memref<10240x16xf32, #tpu.memory_space<vmem_shared>> -> memref<64x16xf32, #tpu.memory_space<vmem_shared>>
      tpu.wait_dma2 semaphore(%run_scoped3A : memref<!tpu.dma_semaphore, #tpu.memory_space<semaphore_mem>>) src(%arg17 : memref<64x16xf32, #tpu.memory_space<vmem>>) dst(%dma_wait3A_69 : memref<64x16xf32, #tpu.memory_space<vmem_shared>>)
      tpu.yield
    }) : () -> ()
    %barrier3A = arith.constant 0 : index
    tpu.barrier barrier_id(%barrier3A)
    %scan3A_49 = arith.constant 0 : i32
    %scan3A_50 = arith.constant 0 : i32
    %scan3A_51 = arith.constant 316 : i32
    %scan3A_52 = arith.addi %scan3A_50, %scan3A_51 : i32
    %scan3A_53 = arith.constant 1 : i32
    %scan3A_54 = scf.for %scan3A_64 = %scan3A_50 to %scan3A_52 step %scan3A_53 iter_args(%scan3A_65 = %scan3A_49) -> (i32)  : i32 {
      %mul3A_66 = arith.constant 16 : i32
      %mul3A_67 = arith.muli %scan3A_64, %mul3A_66 : i32
      %add3A_68 = arith.addi %mul3A_67, %arg1 : i32
      %mul3A_69 = arith.constant 64 : i32
      %mul3A_70 = arith.muli %add3A_68, %mul3A_69 : i32
      "tpu.region"() ({
        %run_scoped3A = tpu.sem_alloc : memref<!tpu.dma_semaphore, #tpu.memory_space<semaphore_mem>>
        %dma_start3A_105 = tpu.memref_slice %arg6[%mul3A_70] : memref<323584xi32, #tpu.memory_space<hbm>> -> memref<64xi32, #tpu.memory_space<hbm>>
        %dma_start3A_106 = tpu.memref_slice %arg6[%mul3A_70] : memref<323584xi32, #tpu.memory_space<hbm>> -> memref<64xi32, #tpu.memory_space<hbm>>
        tpu.enqueue_dma source(%dma_start3A_106 : memref<64xi32, #tpu.memory_space<hbm>>) target(%arg9 : memref<64xi32, #tpu.memory_space<vmem>>) target_semaphore(%run_scoped3A : memref<!tpu.dma_semaphore, #tpu.memory_space<semaphore_mem>>)
        %dma_wait3A_107 = tpu.memref_slice %arg6[%mul3A_70] : memref<323584xi32, #tpu.memory_space<hbm>> -> memref<64xi32, #tpu.memory_space<hbm>>
        %dma_wait3A_108 = tpu.memref_slice %arg6[%mul3A_70] : memref<323584xi32, #tpu.memory_space<hbm>> -> memref<64xi32, #tpu.memory_space<hbm>>
        tpu.wait_dma2 semaphore(%run_scoped3A : memref<!tpu.dma_semaphore, #tpu.memory_space<semaphore_mem>>) src(%dma_wait3A_108 : memref<64xi32, #tpu.memory_space<hbm>>) dst(%arg9 : memref<64xi32, #tpu.memory_space<vmem>>)
        tpu.yield
      }) : () -> ()
      "tpu.region"() ({
        %run_scoped3A = tpu.sem_alloc : memref<!tpu.dma_semaphore, #tpu.memory_space<semaphore_mem>>
        %dma_start3A_105 = tpu.memref_slice %arg7[%mul3A_70] : memref<323584xi32, #tpu.memory_space<hbm>> -> memref<64xi32, #tpu.memory_space<hbm>>
        %dma_start3A_106 = tpu.memref_slice %arg7[%mul3A_70] : memref<323584xi32, #tpu.memory_space<hbm>> -> memref<64xi32, #tpu.memory_space<hbm>>
        tpu.enqueue_dma source(%dma_start3A_106 : memref<64xi32, #tpu.memory_space<hbm>>) target(%arg10 : memref<64xi32, #tpu.memory_space<vmem>>) target_semaphore(%run_scoped3A : memref<!tpu.dma_semaphore, #tpu.memory_space<semaphore_mem>>)
        %dma_wait3A_107 = tpu.memref_slice %arg7[%mul3A_70] : memref<323584xi32, #tpu.memory_space<hbm>> -> memref<64xi32, #tpu.memory_space<hbm>>
        %dma_wait3A_108 = tpu.memref_slice %arg7[%mul3A_70] : memref<323584xi32, #tpu.memory_space<hbm>> -> memref<64xi32, #tpu.memory_space<hbm>>
        tpu.wait_dma2 semaphore(%run_scoped3A : memref<!tpu.dma_semaphore, #tpu.memory_space<semaphore_mem>>) src(%dma_wait3A_108 : memref<64xi32, #tpu.memory_space<hbm>>) dst(%arg10 : memref<64xi32, #tpu.memory_space<vmem>>)
        tpu.yield
      }) : () -> ()
      %mul3A_71 = arith.constant 323584 : i32
      %mul3A_72 = arith.muli %arg0, %mul3A_71 : i32
      %add3A_73 = arith.addi %mul3A_72, %mul3A_70 : i32
      "tpu.region"() ({
        %run_scoped3A = tpu.sem_alloc : memref<!tpu.dma_semaphore, #tpu.memory_space<semaphore_mem>>
        %dma_start3A_105 = arith.constant 0 : i32
        %dma_start3A_106 = tpu.memref_slice %arg5[%add3A_73, %dma_start3A_105] : memref<647168x16xf32, #tpu.memory_space<hbm>> -> memref<64x16xf32, #tpu.memory_space<hbm>>
        %dma_start3A_107 = arith.constant 0 : i32
        %dma_start3A_108 = tpu.memref_slice %arg5[%add3A_73, %dma_start3A_107] : memref<647168x16xf32, #tpu.memory_space<hbm>> -> memref<64x16xf32, #tpu.memory_space<hbm>>
        tpu.enqueue_dma source(%dma_start3A_108 : memref<64x16xf32, #tpu.memory_space<hbm>>) target(%arg14 : memref<64x16xf32, #tpu.memory_space<vmem>>) target_semaphore(%run_scoped3A : memref<!tpu.dma_semaphore, #tpu.memory_space<semaphore_mem>>)
        %dma_wait3A_109 = arith.constant 0 : i32
        %dma_wait3A_110 = tpu.memref_slice %arg5[%add3A_73, %dma_wait3A_109] : memref<647168x16xf32, #tpu.memory_space<hbm>> -> memref<64x16xf32, #tpu.memory_space<hbm>>
        %dma_wait3A_111 = arith.constant 0 : i32
        %dma_wait3A_112 = tpu.memref_slice %arg5[%add3A_73, %dma_wait3A_111] : memref<647168x16xf32, #tpu.memory_space<hbm>> -> memref<64x16xf32, #tpu.memory_space<hbm>>
        tpu.wait_dma2 semaphore(%run_scoped3A : memref<!tpu.dma_semaphore, #tpu.memory_space<semaphore_mem>>) src(%dma_wait3A_112 : memref<64x16xf32, #tpu.memory_space<hbm>>) dst(%arg14 : memref<64x16xf32, #tpu.memory_space<vmem>>)
        tpu.yield
      }) : () -> ()
      %scan3A_74 = arith.constant 0 : i32
      %scan3A_75 = arith.constant 0 : i32
      %scan3A_76 = arith.constant 4 : i32
      %scan3A_77 = arith.addi %scan3A_75, %scan3A_76 : i32
      %scan3A_78 = arith.constant 1 : i32
      %scan3A_79 = scf.for %scan3A_105 = %scan3A_75 to %scan3A_77 step %scan3A_78 iter_args(%scan3A_106 = %scan3A_74) -> (i32)  : i32 {
        %mul3A_107 = arith.constant 16 : i32
        %mul3A_108 = arith.muli %scan3A_105, %mul3A_107 : i32
        %get3A = arith.index_cast %mul3A_108 : i32 to index
        %get3A_109 = tpu.vector_load %arg9[%get3A] {strides = array<i32>} : memref<64xi32, #tpu.memory_space<vmem>>, vector<16xi32>,
        %get3A_110 = vector.shape_cast %get3A_109 : vector<16xi32> to vector<16xi32>
        %add3A_111 = vector.broadcast %mul3A_0 : i32 to vector<16xi32>
        %add3A_112 = arith.addi %get3A_110, %add3A_111 : vector<16xi32>
        %mul3A_113 = arith.constant 16 : i32
        %mul3A_114 = arith.muli %scan3A_105, %mul3A_113 : i32
        %swap3A = arith.index_cast %mul3A_114 : i32 to index
        %swap3A_115 = tpu.vector_load %arg9[%swap3A] {strides = array<i32>} : memref<64xi32, #tpu.memory_space<vmem>>, vector<16xi32>,
        %swap3A_116 = vector.shape_cast %swap3A_115 : vector<16xi32> to vector<16xi32>
        %swap3A_117 = vector.shape_cast %add3A_112 : vector<16xi32> to vector<16xi32>
        tpu.vector_store %arg9[%swap3A], %swap3A_117 {strides = array<i32>} : memref<64xi32, #tpu.memory_space<vmem>>, vector<16xi32>,
        %mul3A_118 = arith.constant 16 : i32
        %mul3A_119 = arith.muli %scan3A_105, %mul3A_118 : i32
        %get3A_120 = arith.index_cast %mul3A_119 : i32 to index
        %get3A_121 = tpu.vector_load %arg10[%get3A_120] {strides = array<i32>} : memref<64xi32, #tpu.memory_space<vmem>>, vector<16xi32>,
        %get3A_122 = vector.shape_cast %get3A_121 : vector<16xi32> to vector<16xi32>
        %add3A_123 = vector.broadcast %mul3A_0 : i32 to vector<16xi32>
        %add3A_124 = arith.addi %get3A_122, %add3A_123 : vector<16xi32>
        %mul3A_125 = arith.constant 16 : i32
        %mul3A_126 = arith.muli %scan3A_105, %mul3A_125 : i32
        %swap3A_127 = arith.index_cast %mul3A_126 : i32 to index
        %swap3A_128 = tpu.vector_load %arg11[%swap3A_127] {strides = array<i32>} : memref<64xi32, #tpu.memory_space<vmem>>, vector<16xi32>,
        %swap3A_129 = vector.shape_cast %swap3A_128 : vector<16xi32> to vector<16xi32>
        %swap3A_130 = vector.shape_cast %add3A_124 : vector<16xi32> to vector<16xi32>
        tpu.vector_store %arg11[%swap3A_127], %swap3A_130 {strides = array<i32>} : memref<64xi32, #tpu.memory_space<vmem>>, vector<16xi32>,
        %scan3A_131 = arith.constant 0 : i32
        scf.yield %scan3A_131 : i32
      }
      %scan3A_80 = arith.constant 4 : i32
      %dma_start3A = arith.constant 0 : i32
      %dma_start3A_81 = arith.constant 0 : i32
      %dma_start3A_82 = tpu.memref_slice %arg3[%dma_start3A, %dma_start3A_81] : memref<20480x16xf32, #tpu.memory_space<hbm>> -> memref<20480x16xf32, #tpu.memory_space<hbm>>
      tpu.enqueue_indirect_dma source(%dma_start3A_82 : memref<20480x16xf32, #tpu.memory_space<hbm>>) target(%arg12 : memref<64x16xf32, #tpu.memory_space<vmem>>) offsets(%arg9 : memref<64xi32, #tpu.memory_space<vmem>>) semaphore(%arg21 : memref<!tpu.dma_semaphore, #tpu.memory_space<semaphore_mem>>)
      %dma_start3A_83 = arith.constant 0 : i32
      %dma_start3A_84 = arith.constant 0 : i32
      %dma_start3A_85 = tpu.memref_slice %arg4[%dma_start3A_83, %dma_start3A_84] : memref<20480x16xf32, #tpu.memory_space<hbm>> -> memref<20480x16xf32, #tpu.memory_space<hbm>>
      tpu.enqueue_indirect_dma source(%dma_start3A_85 : memref<20480x16xf32, #tpu.memory_space<hbm>>) target(%arg13 : memref<64x16xf32, #tpu.memory_space<vmem>>) offsets(%arg11 : memref<64xi32, #tpu.memory_space<vmem>>) semaphore(%arg22 : memref<!tpu.dma_semaphore, #tpu.memory_space<semaphore_mem>>)
      %dma_start3A_86 = arith.constant 0 : i32
      %dma_start3A_87 = arith.constant 0 : i32
      %dma_start3A_88 = tpu.memref_slice %arg2[%dma_start3A_86, %dma_start3A_87] : memref<20480x128xf32, #tpu.memory_space<hbm>> -> memref<20480x128xf32, #tpu.memory_space<hbm>>
      tpu.enqueue_indirect_dma source(%dma_start3A_88 : memref<20480x128xf32, #tpu.memory_space<hbm>>) target(%arg15 : memref<64x128xf32, #tpu.memory_space<vmem>>) offsets(%arg9 : memref<64xi32, #tpu.memory_space<vmem>>) semaphore(%arg23 : memref<!tpu.dma_semaphore, #tpu.memory_space<semaphore_mem>>)
      %dma_wait3A = arith.constant 0 : i32
      %dma_wait3A_89 = arith.constant 0 : i32
      %dma_wait3A_90 = tpu.memref_slice %arg3[%dma_wait3A, %dma_wait3A_89] : memref<20480x16xf32, #tpu.memory_space<hbm>> -> memref<20480x16xf32, #tpu.memory_space<hbm>>
      tpu.wait_indirect_dma semaphore(%arg21 : memref<!tpu.dma_semaphore, #tpu.memory_space<semaphore_mem>>) src(%dma_wait3A_90 : memref<20480x16xf32, #tpu.memory_space<hbm>>) dst(%arg12 : memref<64x16xf32, #tpu.memory_space<vmem>>)
      %dma_wait3A_91 = arith.constant 0 : i32
      %dma_wait3A_92 = arith.constant 0 : i32
      %dma_wait3A_93 = tpu.memref_slice %arg4[%dma_wait3A_91, %dma_wait3A_92] : memref<20480x16xf32, #tpu.memory_space<hbm>> -> memref<20480x16xf32, #tpu.memory_space<hbm>>
      tpu.wait_indirect_dma semaphore(%arg22 : memref<!tpu.dma_semaphore, #tpu.memory_space<semaphore_mem>>) src(%dma_wait3A_93 : memref<20480x16xf32, #tpu.memory_space<hbm>>) dst(%arg13 : memref<64x16xf32, #tpu.memory_space<vmem>>)
      %dma_wait3A_94 = arith.constant 0 : i32
      %dma_wait3A_95 = arith.constant 0 : i32
      %dma_wait3A_96 = tpu.memref_slice %arg2[%dma_wait3A_94, %dma_wait3A_95] : memref<20480x128xf32, #tpu.memory_space<hbm>> -> memref<20480x128xf32, #tpu.memory_space<hbm>>
      tpu.wait_indirect_dma semaphore(%arg23 : memref<!tpu.dma_semaphore, #tpu.memory_space<semaphore_mem>>) src(%dma_wait3A_96 : memref<20480x128xf32, #tpu.memory_space<hbm>>) dst(%arg15 : memref<64x128xf32, #tpu.memory_space<vmem>>)
      %scan3A_97 = arith.constant 0 : i32
      %scan3A_98 = arith.constant 0 : i32
      %scan3A_99 = arith.constant 64 : i32
      %scan3A_100 = arith.addi %scan3A_98, %scan3A_99 : i32
      %scan3A_101 = arith.constant 1 : i32
      %scan3A_102 = scf.for %scan3A_105 = %scan3A_98 to %scan3A_100 step %scan3A_101 iter_args(%scan3A_106 = %scan3A_97) -> (i32)  : i32 {
        %get3A = arith.index_cast %scan3A_105 : i32 to index
        %get3A_107 = arith.constant 0 : index
        %get3A_108 = tpu.vector_load %arg12[%get3A, %get3A_107] {strides = array<i32>} : memref<64x16xf32, #tpu.memory_space<vmem>>, vector<1x16xf32>,
        %get3A_109 = vector.shape_cast %get3A_108 : vector<1x16xf32> to vector<16xf32>
        %get3A_110 = arith.index_cast %scan3A_105 : i32 to index
        %get3A_111 = arith.constant 0 : index
        %get3A_112 = tpu.vector_load %arg13[%get3A_110, %get3A_111] {strides = array<i32>} : memref<64x16xf32, #tpu.memory_space<vmem>>, vector<1x16xf32>,
        %get3A_113 = vector.shape_cast %get3A_112 : vector<1x16xf32> to vector<16xf32>
        %get3A_114 = arith.index_cast %scan3A_105 : i32 to index
        %get3A_115 = arith.constant 0 : index
        %get3A_116 = tpu.vector_load %arg14[%get3A_114, %get3A_115] {strides = array<i32>} : memref<64x16xf32, #tpu.memory_space<vmem>>, vector<1x16xf32>,
        %get3A_117 = vector.shape_cast %get3A_116 : vector<1x16xf32> to vector<16xf32>
        %add3A_118 = arith.addf %get3A_109, %get3A_113 : vector<16xf32>
        %add3A_119 = arith.addf %add3A_118, %get3A_117 : vector<16xf32>
        %ge3A = arith.constant 0.000000e+00 : f32
        %ge3A_120 = vector.broadcast %ge3A : f32 to vector<16xf32>
        %ge3A_121 = arith.cmpf oge, %add3A_119, %ge3A_120 : vector<16xf32>
        %mul3A_122 = arith.constant 2.000000e-01 : f32
        %mul3A_123 = vector.broadcast %mul3A_122 : f32 to vector<16xf32>
        %mul3A_124 = arith.mulf %mul3A_123, %add3A_119 : vector<16xf32>
        %select_n3A = arith.select %ge3A_121, %add3A_119, %mul3A_124 : vector<16xi1>, vector<16xf32>
        %exp3A = math.exp %select_n3A : vector<16xf32>
        %select_n3A_125 = arith.select %lt3A_2, %exp3A, %broadcast_in_dim3A_3 : vector<16xi1>, vector<16xf32>
        %swap3A = arith.index_cast %scan3A_105 : i32 to index
        %swap3A_126 = arith.constant 0 : index
        %swap3A_127 = tpu.vector_load %arg17[%swap3A, %swap3A_126] {strides = array<i32>} : memref<64x16xf32, #tpu.memory_space<vmem>>, vector<1x16xf32>,
        %swap3A_128 = vector.shape_cast %swap3A_127 : vector<1x16xf32> to vector<16xf32>
        %swap3A_129 = vector.shape_cast %select_n3A_125 : vector<16xf32> to vector<1x16xf32>
        tpu.vector_store %arg17[%swap3A, %swap3A_126], %swap3A_129 {strides = array<i32>} : memref<64x16xf32, #tpu.memory_space<vmem>>, vector<1x16xf32>,
        %slice3A = vector.extract_strided_slice %exp3A {offsets = [0], sizes = [1], strides = [1]} : vector<16xf32> to vector<1xf32>
        %squeeze3A = vector.extract %slice3A[0] : f32 from vector<1xf32>
        %slice3A_130 = vector.extract_strided_slice %exp3A {offsets = [1], sizes = [1], strides = [1]} : vector<16xf32> to vector<1xf32>
        %squeeze3A_131 = vector.extract %slice3A_130[0] : f32 from vector<1xf32>
        %slice3A_132 = vector.extract_strided_slice %exp3A {offsets = [2], sizes = [1], strides = [1]} : vector<16xf32> to vector<1xf32>
        %squeeze3A_133 = vector.extract %slice3A_132[0] : f32 from vector<1xf32>
        %slice3A_134 = vector.extract_strided_slice %exp3A {offsets = [3], sizes = [1], strides = [1]} : vector<16xf32> to vector<1xf32>
        %squeeze3A_135 = vector.extract %slice3A_134[0] : f32 from vector<1xf32>
        %get3A_136 = arith.index_cast %scan3A_105 : i32 to index
        %get3A_137 = arith.constant 0 : index
        %get3A_138 = tpu.vector_load %arg15[%get3A_136, %get3A_137] {strides = array<i32>} : memref<64x128xf32, #tpu.memory_space<vmem>>, vector<1x16xf32>,
        %get3A_139 = vector.shape_cast %get3A_138 : vector<1x16xf32> to vector<16xf32>
        %mul3A_140 = vector.broadcast %squeeze3A : f32 to vector<16xf32>
        %mul3A_141 = arith.mulf %get3A_139, %mul3A_140 : vector<16xf32>
        %swap3A_142 = arith.index_cast %scan3A_105 : i32 to index
        %swap3A_143 = arith.constant 0 : index
        %swap3A_144 = tpu.vector_load %arg16[%swap3A_142, %swap3A_143] {strides = array<i32>} : memref<64x128xf32, #tpu.memory_space<vmem>>, vector<1x16xf32>,
        %swap3A_145 = vector.shape_cast %swap3A_144 : vector<1x16xf32> to vector<16xf32>
        %swap3A_146 = vector.shape_cast %mul3A_141 : vector<16xf32> to vector<1x16xf32>
        tpu.vector_store %arg16[%swap3A_142, %swap3A_143], %swap3A_146 {strides = array<i32>} : memref<64x128xf32, #tpu.memory_space<vmem>>, vector<1x16xf32>,
        %get3A_147 = arith.index_cast %scan3A_105 : i32 to index
        %get3A_148 = arith.constant 16 : index
        %get3A_149 = tpu.vector_load %arg15[%get3A_147, %get3A_148] {strides = array<i32>} : memref<64x128xf32, #tpu.memory_space<vmem>>, vector<1x16xf32>,
        %get3A_150 = vector.shape_cast %get3A_149 : vector<1x16xf32> to vector<16xf32>
        %mul3A_151 = vector.broadcast %squeeze3A : f32 to vector<16xf32>
        %mul3A_152 = arith.mulf %get3A_150, %mul3A_151 : vector<16xf32>
        %swap3A_153 = arith.index_cast %scan3A_105 : i32 to index
        %swap3A_154 = arith.constant 16 : index
        %swap3A_155 = tpu.vector_load %arg16[%swap3A_153, %swap3A_154] {strides = array<i32>} : memref<64x128xf32, #tpu.memory_space<vmem>>, vector<1x16xf32>,
        %swap3A_156 = vector.shape_cast %swap3A_155 : vector<1x16xf32> to vector<16xf32>
        %swap3A_157 = vector.shape_cast %mul3A_152 : vector<16xf32> to vector<1x16xf32>
        tpu.vector_store %arg16[%swap3A_153, %swap3A_154], %swap3A_157 {strides = array<i32>} : memref<64x128xf32, #tpu.memory_space<vmem>>, vector<1x16xf32>,
        %get3A_158 = arith.index_cast %scan3A_105 : i32 to index
        %get3A_159 = arith.constant 32 : index
        %get3A_160 = tpu.vector_load %arg15[%get3A_158, %get3A_159] {strides = array<i32>} : memref<64x128xf32, #tpu.memory_space<vmem>>, vector<1x16xf32>,
        %get3A_161 = vector.shape_cast %get3A_160 : vector<1x16xf32> to vector<16xf32>
        %mul3A_162 = vector.broadcast %squeeze3A_131 : f32 to vector<16xf32>
        %mul3A_163 = arith.mulf %get3A_161, %mul3A_162 : vector<16xf32>
        %swap3A_164 = arith.index_cast %scan3A_105 : i32 to index
        %swap3A_165 = arith.constant 32 : index
        %swap3A_166 = tpu.vector_load %arg16[%swap3A_164, %swap3A_165] {strides = array<i32>} : memref<64x128xf32, #tpu.memory_space<vmem>>, vector<1x16xf32>,
        %swap3A_167 = vector.shape_cast %swap3A_166 : vector<1x16xf32> to vector<16xf32>
        %swap3A_168 = vector.shape_cast %mul3A_163 : vector<16xf32> to vector<1x16xf32>
        tpu.vector_store %arg16[%swap3A_164, %swap3A_165], %swap3A_168 {strides = array<i32>} : memref<64x128xf32, #tpu.memory_space<vmem>>, vector<1x16xf32>,
        %get3A_169 = arith.index_cast %scan3A_105 : i32 to index
        %get3A_170 = arith.constant 48 : index
        %get3A_171 = tpu.vector_load %arg15[%get3A_169, %get3A_170] {strides = array<i32>} : memref<64x128xf32, #tpu.memory_space<vmem>>, vector<1x16xf32>,
        %get3A_172 = vector.shape_cast %get3A_171 : vector<1x16xf32> to vector<16xf32>
        %mul3A_173 = vector.broadcast %squeeze3A_131 : f32 to vector<16xf32>
        %mul3A_174 = arith.mulf %get3A_172, %mul3A_173 : vector<16xf32>
        %swap3A_175 = arith.index_cast %scan3A_105 : i32 to index
        %swap3A_176 = arith.constant 48 : index
        %swap3A_177 = tpu.vector_load %arg16[%swap3A_175, %swap3A_176] {strides = array<i32>} : memref<64x128xf32, #tpu.memory_space<vmem>>, vector<1x16xf32>,
        %swap3A_178 = vector.shape_cast %swap3A_177 : vector<1x16xf32> to vector<16xf32>
        %swap3A_179 = vector.shape_cast %mul3A_174 : vector<16xf32> to vector<1x16xf32>
        tpu.vector_store %arg16[%swap3A_175, %swap3A_176], %swap3A_179 {strides = array<i32>} : memref<64x128xf32, #tpu.memory_space<vmem>>, vector<1x16xf32>,
        %get3A_180 = arith.index_cast %scan3A_105 : i32 to index
        %get3A_181 = arith.constant 64 : index
        %get3A_182 = tpu.vector_load %arg15[%get3A_180, %get3A_181] {strides = array<i32>} : memref<64x128xf32, #tpu.memory_space<vmem>>, vector<1x16xf32>,
        %get3A_183 = vector.shape_cast %get3A_182 : vector<1x16xf32> to vector<16xf32>
        %mul3A_184 = vector.broadcast %squeeze3A_133 : f32 to vector<16xf32>
        %mul3A_185 = arith.mulf %get3A_183, %mul3A_184 : vector<16xf32>
        %swap3A_186 = arith.index_cast %scan3A_105 : i32 to index
        %swap3A_187 = arith.constant 64 : index
        %swap3A_188 = tpu.vector_load %arg16[%swap3A_186, %swap3A_187] {strides = array<i32>} : memref<64x128xf32, #tpu.memory_space<vmem>>, vector<1x16xf32>,
        %swap3A_189 = vector.shape_cast %swap3A_188 : vector<1x16xf32> to vector<16xf32>
        %swap3A_190 = vector.shape_cast %mul3A_185 : vector<16xf32> to vector<1x16xf32>
        tpu.vector_store %arg16[%swap3A_186, %swap3A_187], %swap3A_190 {strides = array<i32>} : memref<64x128xf32, #tpu.memory_space<vmem>>, vector<1x16xf32>,
        %get3A_191 = arith.index_cast %scan3A_105 : i32 to index
        %get3A_192 = arith.constant 80 : index
        %get3A_193 = tpu.vector_load %arg15[%get3A_191, %get3A_192] {strides = array<i32>} : memref<64x128xf32, #tpu.memory_space<vmem>>, vector<1x16xf32>,
        %get3A_194 = vector.shape_cast %get3A_193 : vector<1x16xf32> to vector<16xf32>
        %mul3A_195 = vector.broadcast %squeeze3A_133 : f32 to vector<16xf32>
        %mul3A_196 = arith.mulf %get3A_194, %mul3A_195 : vector<16xf32>
        %swap3A_197 = arith.index_cast %scan3A_105 : i32 to index
        %swap3A_198 = arith.constant 80 : index
        %swap3A_199 = tpu.vector_load %arg16[%swap3A_197, %swap3A_198] {strides = array<i32>} : memref<64x128xf32, #tpu.memory_space<vmem>>, vector<1x16xf32>,
        %swap3A_200 = vector.shape_cast %swap3A_199 : vector<1x16xf32> to vector<16xf32>
        %swap3A_201 = vector.shape_cast %mul3A_196 : vector<16xf32> to vector<1x16xf32>
        tpu.vector_store %arg16[%swap3A_197, %swap3A_198], %swap3A_201 {strides = array<i32>} : memref<64x128xf32, #tpu.memory_space<vmem>>, vector<1x16xf32>,
        %get3A_202 = arith.index_cast %scan3A_105 : i32 to index
        %get3A_203 = arith.constant 96 : index
        %get3A_204 = tpu.vector_load %arg15[%get3A_202, %get3A_203] {strides = array<i32>} : memref<64x128xf32, #tpu.memory_space<vmem>>, vector<1x16xf32>,
        %get3A_205 = vector.shape_cast %get3A_204 : vector<1x16xf32> to vector<16xf32>
        %mul3A_206 = vector.broadcast %squeeze3A_135 : f32 to vector<16xf32>
        %mul3A_207 = arith.mulf %get3A_205, %mul3A_206 : vector<16xf32>
        %swap3A_208 = arith.index_cast %scan3A_105 : i32 to index
        %swap3A_209 = arith.constant 96 : index
        %swap3A_210 = tpu.vector_load %arg16[%swap3A_208, %swap3A_209] {strides = array<i32>} : memref<64x128xf32, #tpu.memory_space<vmem>>, vector<1x16xf32>,
        %swap3A_211 = vector.shape_cast %swap3A_210 : vector<1x16xf32> to vector<16xf32>
        %swap3A_212 = vector.shape_cast %mul3A_207 : vector<16xf32> to vector<1x16xf32>
        tpu.vector_store %arg16[%swap3A_208, %swap3A_209], %swap3A_212 {strides = array<i32>} : memref<64x128xf32, #tpu.memory_space<vmem>>, vector<1x16xf32>,
        %get3A_213 = arith.index_cast %scan3A_105 : i32 to index
        %get3A_214 = arith.constant 112 : index
        %get3A_215 = tpu.vector_load %arg15[%get3A_213, %get3A_214] {strides = array<i32>} : memref<64x128xf32, #tpu.memory_space<vmem>>, vector<1x16xf32>,
        %get3A_216 = vector.shape_cast %get3A_215 : vector<1x16xf32> to vector<16xf32>
        %mul3A_217 = vector.broadcast %squeeze3A_135 : f32 to vector<16xf32>
        %mul3A_218 = arith.mulf %get3A_216, %mul3A_217 : vector<16xf32>
        %swap3A_219 = arith.index_cast %scan3A_105 : i32 to index
        %swap3A_220 = arith.constant 112 : index
        %swap3A_221 = tpu.vector_load %arg16[%swap3A_219, %swap3A_220] {strides = array<i32>} : memref<64x128xf32, #tpu.memory_space<vmem>>, vector<1x16xf32>,
        %swap3A_222 = vector.shape_cast %swap3A_221 : vector<1x16xf32> to vector<16xf32>
        %swap3A_223 = vector.shape_cast %mul3A_218 : vector<16xf32> to vector<1x16xf32>
        tpu.vector_store %arg16[%swap3A_219, %swap3A_220], %swap3A_223 {strides = array<i32>} : memref<64x128xf32, #tpu.memory_space<vmem>>, vector<1x16xf32>,
        %scan3A_224 = arith.constant 0 : i32
        scf.yield %scan3A_224 : i32
      }
      %scan3A_103 = arith.constant 64 : i32
      "tpu.region"() ({
        %run_scoped3A = tpu.sem_alloc : memref<!tpu.dma_semaphore, #tpu.memory_space<semaphore_mem>>
        %dma_start3A_105 = arith.constant 0 : i32
        %dma_start3A_106 = arith.constant 0 : i32
        %dma_start3A_107 = tpu.memref_slice %arg18[%dma_start3A_105, %dma_start3A_106] : memref<10240x128xf32, #tpu.memory_space<vmem_shared>> -> memref<10240x128xf32, #tpu.memory_space<vmem_shared>>
        tpu.enqueue_indirect_dma source(%arg16 : memref<64x128xf32, #tpu.memory_space<vmem>>) target(%dma_start3A_107 : memref<10240x128xf32, #tpu.memory_space<vmem_shared>>) offsets(%arg10 : memref<64xi32, #tpu.memory_space<vmem>>) semaphore(%run_scoped3A : memref<!tpu.dma_semaphore, #tpu.memory_space<semaphore_mem>>) {add = true}
        %dma_wait3A_108 = arith.constant 0 : i32
        %dma_wait3A_109 = arith.constant 0 : i32
        %dma_wait3A_110 = tpu.memref_slice %arg18[%dma_wait3A_108, %dma_wait3A_109] : memref<10240x128xf32, #tpu.memory_space<vmem_shared>> -> memref<10240x128xf32, #tpu.memory_space<vmem_shared>>
        tpu.wait_indirect_dma semaphore(%run_scoped3A : memref<!tpu.dma_semaphore, #tpu.memory_space<semaphore_mem>>) src(%arg16 : memref<64x128xf32, #tpu.memory_space<vmem>>) dst(%dma_wait3A_110 : memref<10240x128xf32, #tpu.memory_space<vmem_shared>>)
        tpu.yield
      }) : () -> ()
      "tpu.region"() ({
        %run_scoped3A = tpu.sem_alloc : memref<!tpu.dma_semaphore, #tpu.memory_space<semaphore_mem>>
        %dma_start3A_105 = arith.constant 0 : i32
        %dma_start3A_106 = arith.constant 0 : i32
        %dma_start3A_107 = tpu.memref_slice %arg19[%dma_start3A_105, %dma_start3A_106] : memref<10240x16xf32, #tpu.memory_space<vmem_shared>> -> memref<10240x16xf32, #tpu.memory_space<vmem_shared>>
        tpu.enqueue_indirect_dma source(%arg17 : memref<64x16xf32, #tpu.memory_space<vmem>>) target(%dma_start3A_107 : memref<10240x16xf32, #tpu.memory_space<vmem_shared>>) offsets(%arg10 : memref<64xi32, #tpu.memory_space<vmem>>) semaphore(%run_scoped3A : memref<!tpu.dma_semaphore, #tpu.memory_space<semaphore_mem>>) {add = true}
        %dma_wait3A_108 = arith.constant 0 : i32
        %dma_wait3A_109 = arith.constant 0 : i32
        %dma_wait3A_110 = tpu.memref_slice %arg19[%dma_wait3A_108, %dma_wait3A_109] : memref<10240x16xf32, #tpu.memory_space<vmem_shared>> -> memref<10240x16xf32, #tpu.memory_space<vmem_shared>>
        tpu.wait_indirect_dma semaphore(%run_scoped3A : memref<!tpu.dma_semaphore, #tpu.memory_space<semaphore_mem>>) src(%arg17 : memref<64x16xf32, #tpu.memory_space<vmem>>) dst(%dma_wait3A_110 : memref<10240x16xf32, #tpu.memory_space<vmem_shared>>)
        tpu.yield
      }) : () -> ()
      "tpu.region"() ({
        %run_scoped3A = tpu.sem_alloc : memref<!tpu.dma_semaphore, #tpu.memory_space<semaphore_mem>>
        %dma_start3A_105 = arith.constant 0 : i32
        %dma_start3A_106 = arith.constant 0 : i32
        %dma_start3A_107 = tpu.memref_slice %arg20[%dma_start3A_105, %dma_start3A_106] : memref<10240x16xf32, #tpu.memory_space<vmem_shared>> -> memref<10240x16xf32, #tpu.memory_space<vmem_shared>>
        tpu.enqueue_indirect_dma source(%arg14 : memref<64x16xf32, #tpu.memory_space<vmem>>) target(%dma_start3A_107 : memref<10240x16xf32, #tpu.memory_space<vmem_shared>>) offsets(%arg10 : memref<64xi32, #tpu.memory_space<vmem>>) semaphore(%run_scoped3A : memref<!tpu.dma_semaphore, #tpu.memory_space<semaphore_mem>>) {add = true}
        %dma_wait3A_108 = arith.constant 0 : i32
        %dma_wait3A_109 = arith.constant 0 : i32
        %dma_wait3A_110 = tpu.memref_slice %arg20[%dma_wait3A_108, %dma_wait3A_109] : memref<10240x16xf32, #tpu.memory_space<vmem_shared>> -> memref<10240x16xf32, #tpu.memory_space<vmem_shared>>
        tpu.wait_indirect_dma semaphore(%run_scoped3A : memref<!tpu.dma_semaphore, #tpu.memory_space<semaphore_mem>>) src(%arg14 : memref<64x16xf32, #tpu.memory_space<vmem>>) dst(%dma_wait3A_110 : memref<10240x16xf32, #tpu.memory_space<vmem_shared>>)
        tpu.yield
      }) : () -> ()
      %scan3A_104 = arith.constant 0 : i32
      scf.yield %scan3A_104 : i32
    }
    %scan3A_55 = arith.constant 316 : i32
    %barrier3A_56 = arith.constant 0 : index
    tpu.barrier barrier_id(%barrier3A_56)
    %scan3A_57 = arith.constant 0 : i32
    %scan3A_58 = arith.constant 0 : i32
    %scan3A_59 = arith.constant 10 : i32
    %scan3A_60 = arith.addi %scan3A_58, %scan3A_59 : i32
    %scan3A_61 = arith.constant 1 : i32
    %scan3A_62 = scf.for %scan3A_64 = %scan3A_58 to %scan3A_60 step %scan3A_61 iter_args(%scan3A_65 = %scan3A_57) -> (i32)  : i32 {
      %mul3A_66 = arith.constant 640 : i32
      %mul3A_67 = arith.muli %arg1, %mul3A_66 : i32
      %mul3A_68 = arith.constant 64 : i32
      %mul3A_69 = arith.muli %scan3A_64, %mul3A_68 : i32
      %add3A_70 = arith.addi %mul3A_67, %mul3A_69 : i32
      "tpu.region"() ({
        %run_scoped3A = tpu.sem_alloc : memref<!tpu.dma_semaphore, #tpu.memory_space<semaphore_mem>>
        %dma_start3A = arith.constant 0 : i32
        %dma_start3A_83 = tpu.memref_slice %arg18[%add3A_70, %dma_start3A] : memref<10240x128xf32, #tpu.memory_space<vmem_shared>> -> memref<64x128xf32, #tpu.memory_space<vmem_shared>>
        %dma_start3A_84 = arith.constant 0 : i32
        %dma_start3A_85 = tpu.memref_slice %arg18[%add3A_70, %dma_start3A_84] : memref<10240x128xf32, #tpu.memory_space<vmem_shared>> -> memref<64x128xf32, #tpu.memory_space<vmem_shared>>
        tpu.enqueue_dma source(%dma_start3A_85 : memref<64x128xf32, #tpu.memory_space<vmem_shared>>) target(%arg15 : memref<64x128xf32, #tpu.memory_space<vmem>>) target_semaphore(%run_scoped3A : memref<!tpu.dma_semaphore, #tpu.memory_space<semaphore_mem>>)
        %dma_wait3A = arith.constant 0 : i32
        %dma_wait3A_86 = tpu.memref_slice %arg18[%add3A_70, %dma_wait3A] : memref<10240x128xf32, #tpu.memory_space<vmem_shared>> -> memref<64x128xf32, #tpu.memory_space<vmem_shared>>
        %dma_wait3A_87 = arith.constant 0 : i32
        %dma_wait3A_88 = tpu.memref_slice %arg18[%add3A_70, %dma_wait3A_87] : memref<10240x128xf32, #tpu.memory_space<vmem_shared>> -> memref<64x128xf32, #tpu.memory_space<vmem_shared>>
        tpu.wait_dma2 semaphore(%run_scoped3A : memref<!tpu.dma_semaphore, #tpu.memory_space<semaphore_mem>>) src(%dma_wait3A_88 : memref<64x128xf32, #tpu.memory_space<vmem_shared>>) dst(%arg15 : memref<64x128xf32, #tpu.memory_space<vmem>>)
        tpu.yield
      }) : () -> ()
      "tpu.region"() ({
        %run_scoped3A = tpu.sem_alloc : memref<!tpu.dma_semaphore, #tpu.memory_space<semaphore_mem>>
        %dma_start3A = arith.constant 0 : i32
        %dma_start3A_83 = tpu.memref_slice %arg19[%add3A_70, %dma_start3A] : memref<10240x16xf32, #tpu.memory_space<vmem_shared>> -> memref<64x16xf32, #tpu.memory_space<vmem_shared>>
        %dma_start3A_84 = arith.constant 0 : i32
        %dma_start3A_85 = tpu.memref_slice %arg19[%add3A_70, %dma_start3A_84] : memref<10240x16xf32, #tpu.memory_space<vmem_shared>> -> memref<64x16xf32, #tpu.memory_space<vmem_shared>>
        tpu.enqueue_dma source(%dma_start3A_85 : memref<64x16xf32, #tpu.memory_space<vmem_shared>>) target(%arg17 : memref<64x16xf32, #tpu.memory_space<vmem>>) target_semaphore(%run_scoped3A : memref<!tpu.dma_semaphore, #tpu.memory_space<semaphore_mem>>)
        %dma_wait3A = arith.constant 0 : i32
        %dma_wait3A_86 = tpu.memref_slice %arg19[%add3A_70, %dma_wait3A] : memref<10240x16xf32, #tpu.memory_space<vmem_shared>> -> memref<64x16xf32, #tpu.memory_space<vmem_shared>>
        %dma_wait3A_87 = arith.constant 0 : i32
        %dma_wait3A_88 = tpu.memref_slice %arg19[%add3A_70, %dma_wait3A_87] : memref<10240x16xf32, #tpu.memory_space<vmem_shared>> -> memref<64x16xf32, #tpu.memory_space<vmem_shared>>
        tpu.wait_dma2 semaphore(%run_scoped3A : memref<!tpu.dma_semaphore, #tpu.memory_space<semaphore_mem>>) src(%dma_wait3A_88 : memref<64x16xf32, #tpu.memory_space<vmem_shared>>) dst(%arg17 : memref<64x16xf32, #tpu.memory_space<vmem>>)
        tpu.yield
      }) : () -> ()
      "tpu.region"() ({
        %run_scoped3A = tpu.sem_alloc : memref<!tpu.dma_semaphore, #tpu.memory_space<semaphore_mem>>
        %dma_start3A = arith.constant 0 : i32
        %dma_start3A_83 = tpu.memref_slice %arg20[%add3A_70, %dma_start3A] : memref<10240x16xf32, #tpu.memory_space<vmem_shared>> -> memref<64x16xf32, #tpu.memory_space<vmem_shared>>
        %dma_start3A_84 = arith.constant 0 : i32
        %dma_start3A_85 = tpu.memref_slice %arg20[%add3A_70, %dma_start3A_84] : memref<10240x16xf32, #tpu.memory_space<vmem_shared>> -> memref<64x16xf32, #tpu.memory_space<vmem_shared>>
        tpu.enqueue_dma source(%dma_start3A_85 : memref<64x16xf32, #tpu.memory_space<vmem_shared>>) target(%arg14 : memref<64x16xf32, #tpu.memory_space<vmem>>) target_semaphore(%run_scoped3A : memref<!tpu.dma_semaphore, #tpu.memory_space<semaphore_mem>>)
        %dma_wait3A = arith.constant 0 : i32
        %dma_wait3A_86 = tpu.memref_slice %arg20[%add3A_70, %dma_wait3A] : memref<10240x16xf32, #tpu.memory_space<vmem_shared>> -> memref<64x16xf32, #tpu.memory_space<vmem_shared>>
        %dma_wait3A_87 = arith.constant 0 : i32
        %dma_wait3A_88 = tpu.memref_slice %arg20[%add3A_70, %dma_wait3A_87] : memref<10240x16xf32, #tpu.memory_space<vmem_shared>> -> memref<64x16xf32, #tpu.memory_space<vmem_shared>>
        tpu.wait_dma2 semaphore(%run_scoped3A : memref<!tpu.dma_semaphore, #tpu.memory_space<semaphore_mem>>) src(%dma_wait3A_88 : memref<64x16xf32, #tpu.memory_space<vmem_shared>>) dst(%arg14 : memref<64x16xf32, #tpu.memory_space<vmem>>)
        tpu.yield
      }) : () -> ()
      %add3A_71 = arith.addi %mul3A_0, %add3A_70 : i32
      "tpu.region"() ({
        %run_scoped3A = tpu.sem_alloc : memref<!tpu.dma_semaphore, #tpu.memory_space<semaphore_mem>>
        %dma_start3A = arith.constant 0 : i32
        %dma_start3A_83 = tpu.memref_slice %arg3[%add3A_71, %dma_start3A] : memref<20480x16xf32, #tpu.memory_space<hbm>> -> memref<64x16xf32, #tpu.memory_space<hbm>>
        %dma_start3A_84 = arith.constant 0 : i32
        %dma_start3A_85 = tpu.memref_slice %arg3[%add3A_71, %dma_start3A_84] : memref<20480x16xf32, #tpu.memory_space<hbm>> -> memref<64x16xf32, #tpu.memory_space<hbm>>
        tpu.enqueue_dma source(%dma_start3A_85 : memref<64x16xf32, #tpu.memory_space<hbm>>) target(%arg12 : memref<64x16xf32, #tpu.memory_space<vmem>>) target_semaphore(%run_scoped3A : memref<!tpu.dma_semaphore, #tpu.memory_space<semaphore_mem>>)
        %dma_wait3A = arith.constant 0 : i32
        %dma_wait3A_86 = tpu.memref_slice %arg3[%add3A_71, %dma_wait3A] : memref<20480x16xf32, #tpu.memory_space<hbm>> -> memref<64x16xf32, #tpu.memory_space<hbm>>
        %dma_wait3A_87 = arith.constant 0 : i32
        %dma_wait3A_88 = tpu.memref_slice %arg3[%add3A_71, %dma_wait3A_87] : memref<20480x16xf32, #tpu.memory_space<hbm>> -> memref<64x16xf32, #tpu.memory_space<hbm>>
        tpu.wait_dma2 semaphore(%run_scoped3A : memref<!tpu.dma_semaphore, #tpu.memory_space<semaphore_mem>>) src(%dma_wait3A_88 : memref<64x16xf32, #tpu.memory_space<hbm>>) dst(%arg12 : memref<64x16xf32, #tpu.memory_space<vmem>>)
        tpu.yield
      }) : () -> ()
      %add3A_72 = arith.addi %mul3A_0, %add3A_70 : i32
      "tpu.region"() ({
        %run_scoped3A = tpu.sem_alloc : memref<!tpu.dma_semaphore, #tpu.memory_space<semaphore_mem>>
        %dma_start3A = arith.constant 0 : i32
        %dma_start3A_83 = tpu.memref_slice %arg4[%add3A_72, %dma_start3A] : memref<20480x16xf32, #tpu.memory_space<hbm>> -> memref<64x16xf32, #tpu.memory_space<hbm>>
        %dma_start3A_84 = arith.constant 0 : i32
        %dma_start3A_85 = tpu.memref_slice %arg4[%add3A_72, %dma_start3A_84] : memref<20480x16xf32, #tpu.memory_space<hbm>> -> memref<64x16xf32, #tpu.memory_space<hbm>>
        tpu.enqueue_dma source(%dma_start3A_85 : memref<64x16xf32, #tpu.memory_space<hbm>>) target(%arg13 : memref<64x16xf32, #tpu.memory_space<vmem>>) target_semaphore(%run_scoped3A : memref<!tpu.dma_semaphore, #tpu.memory_space<semaphore_mem>>)
        %dma_wait3A = arith.constant 0 : i32
        %dma_wait3A_86 = tpu.memref_slice %arg4[%add3A_72, %dma_wait3A] : memref<20480x16xf32, #tpu.memory_space<hbm>> -> memref<64x16xf32, #tpu.memory_space<hbm>>
        %dma_wait3A_87 = arith.constant 0 : i32
        %dma_wait3A_88 = tpu.memref_slice %arg4[%add3A_72, %dma_wait3A_87] : memref<20480x16xf32, #tpu.memory_space<hbm>> -> memref<64x16xf32, #tpu.memory_space<hbm>>
        tpu.wait_dma2 semaphore(%run_scoped3A : memref<!tpu.dma_semaphore, #tpu.memory_space<semaphore_mem>>) src(%dma_wait3A_88 : memref<64x16xf32, #tpu.memory_space<hbm>>) dst(%arg13 : memref<64x16xf32, #tpu.memory_space<vmem>>)
        tpu.yield
      }) : () -> ()
      %add3A_73 = arith.addi %mul3A_0, %add3A_70 : i32
      "tpu.region"() ({
        %run_scoped3A = tpu.sem_alloc : memref<!tpu.dma_semaphore, #tpu.memory_space<semaphore_mem>>
        %dma_start3A = arith.constant 0 : i32
        %dma_start3A_83 = tpu.memref_slice %arg2[%add3A_73, %dma_start3A] : memref<20480x128xf32, #tpu.memory_space<hbm>> -> memref<64x128xf32, #tpu.memory_space<hbm>>
        %dma_start3A_84 = arith.constant 0 : i32
        %dma_start3A_85 = tpu.memref_slice %arg2[%add3A_73, %dma_start3A_84] : memref<20480x128xf32, #tpu.memory_space<hbm>> -> memref<64x128xf32, #tpu.memory_space<hbm>>
        tpu.enqueue_dma source(%dma_start3A_85 : memref<64x128xf32, #tpu.memory_space<hbm>>) target(%arg16 : memref<64x128xf32, #tpu.memory_space<vmem>>) target_semaphore(%run_scoped3A : memref<!tpu.dma_semaphore, #tpu.memory_space<semaphore_mem>>)
        %dma_wait3A = arith.constant 0 : i32
        %dma_wait3A_86 = tpu.memref_slice %arg2[%add3A_73, %dma_wait3A] : memref<20480x128xf32, #tpu.memory_space<hbm>> -> memref<64x128xf32, #tpu.memory_space<hbm>>
        %dma_wait3A_87 = arith.constant 0 : i32
        %dma_wait3A_88 = tpu.memref_slice %arg2[%add3A_73, %dma_wait3A_87] : memref<20480x128xf32, #tpu.memory_space<hbm>> -> memref<64x128xf32, #tpu.memory_space<hbm>>
        tpu.wait_dma2 semaphore(%run_scoped3A : memref<!tpu.dma_semaphore, #tpu.memory_space<semaphore_mem>>) src(%dma_wait3A_88 : memref<64x128xf32, #tpu.memory_space<hbm>>) dst(%arg16 : memref<64x128xf32, #tpu.memory_space<vmem>>)
        tpu.yield
      }) : () -> ()
      %scan3A_74 = arith.constant 0 : i32
      %scan3A_75 = arith.constant 0 : i32
      %scan3A_76 = arith.constant 64 : i32
      %scan3A_77 = arith.addi %scan3A_75, %scan3A_76 : i32
      %scan3A_78 = arith.constant 1 : i32
      %scan3A_79 = scf.for %scan3A_83 = %scan3A_75 to %scan3A_77 step %scan3A_78 iter_args(%scan3A_84 = %scan3A_74) -> (i32)  : i32 {
        %get3A = arith.index_cast %scan3A_83 : i32 to index
        %get3A_85 = arith.constant 0 : index
        %get3A_86 = tpu.vector_load %arg17[%get3A, %get3A_85] {strides = array<i32>} : memref<64x16xf32, #tpu.memory_space<vmem>>, vector<1x16xf32>,
        %get3A_87 = vector.shape_cast %get3A_86 : vector<1x16xf32> to vector<16xf32>
        %get3A_88 = arith.index_cast %scan3A_83 : i32 to index
        %get3A_89 = arith.constant 0 : index
        %get3A_90 = tpu.vector_load %arg14[%get3A_88, %get3A_89] {strides = array<i32>} : memref<64x16xf32, #tpu.memory_space<vmem>>, vector<1x16xf32>,
        %get3A_91 = vector.shape_cast %get3A_90 : vector<1x16xf32> to vector<16xf32>
        %get3A_92 = arith.index_cast %scan3A_83 : i32 to index
        %get3A_93 = arith.constant 0 : index
        %get3A_94 = tpu.vector_load %arg12[%get3A_92, %get3A_93] {strides = array<i32>} : memref<64x16xf32, #tpu.memory_space<vmem>>, vector<1x16xf32>,
        %get3A_95 = vector.shape_cast %get3A_94 : vector<1x16xf32> to vector<16xf32>
        %get3A_96 = arith.index_cast %scan3A_83 : i32 to index
        %get3A_97 = arith.constant 0 : index
        %get3A_98 = tpu.vector_load %arg13[%get3A_96, %get3A_97] {strides = array<i32>} : memref<64x16xf32, #tpu.memory_space<vmem>>, vector<1x16xf32>,
        %get3A_99 = vector.shape_cast %get3A_98 : vector<1x16xf32> to vector<16xf32>
        %slice3A = vector.extract_strided_slice %get3A_91 {offsets = [8], sizes = [1], strides = [1]} : vector<16xf32> to vector<1xf32>
        %squeeze3A = vector.extract %slice3A[0] : f32 from vector<1xf32>
        %broadcast_in_dim3A_100 = vector.broadcast %squeeze3A : f32 to vector<16xf32>
        %max3A = arith.constant 1.000000e+00 : f32
        %max3A_101 = vector.broadcast %max3A : f32 to vector<16xf32>
        %max3A_102 = arith.maximumf %broadcast_in_dim3A_100, %max3A_101 : vector<16xf32>
        %div3A = arith.divf %get3A_91, %max3A_102 : vector<16xf32>
        %add3A_103 = arith.addf %get3A_95, %get3A_99 : vector<16xf32>
        %add3A_104 = arith.addf %add3A_103, %div3A : vector<16xf32>
        %ge3A = arith.constant 0.000000e+00 : f32
        %ge3A_105 = vector.broadcast %ge3A : f32 to vector<16xf32>
        %ge3A_106 = arith.cmpf oge, %add3A_104, %ge3A_105 : vector<16xf32>
        %mul3A_107 = arith.constant 2.000000e-01 : f32
        %mul3A_108 = vector.broadcast %mul3A_107 : f32 to vector<16xf32>
        %mul3A_109 = arith.mulf %mul3A_108, %add3A_104 : vector<16xf32>
        %select_n3A = arith.select %ge3A_106, %add3A_104, %mul3A_109 : vector<16xi1>, vector<16xf32>
        %exp3A = math.exp %select_n3A : vector<16xf32>
        %add3A_110 = arith.addf %get3A_87, %exp3A : vector<16xf32>
        %add3A_111 = arith.constant 1.000000e-16 : f32
        %add3A_112 = vector.broadcast %add3A_111 : f32 to vector<16xf32>
        %add3A_113 = arith.addf %add3A_110, %add3A_112 : vector<16xf32>
        %div3A_114 = arith.constant 1.000000e+00 : f32
        %div3A_115 = vector.broadcast %div3A_114 : f32 to vector<16xf32>
        %div3A_116 = arith.divf %div3A_115, %add3A_113 : vector<16xf32>
        %slice3A_117 = vector.extract_strided_slice %exp3A {offsets = [0], sizes = [1], strides = [1]} : vector<16xf32> to vector<1xf32>
        %squeeze3A_118 = vector.extract %slice3A_117[0] : f32 from vector<1xf32>
        %slice3A_119 = vector.extract_strided_slice %div3A_116 {offsets = [0], sizes = [1], strides = [1]} : vector<16xf32> to vector<1xf32>
        %squeeze3A_120 = vector.extract %slice3A_119[0] : f32 from vector<1xf32>
        %get3A_121 = arith.index_cast %scan3A_83 : i32 to index
        %get3A_122 = arith.constant 0 : index
        %get3A_123 = tpu.vector_load %arg15[%get3A_121, %get3A_122] {strides = array<i32>} : memref<64x128xf32, #tpu.memory_space<vmem>>, vector<1x16xf32>,
        %get3A_124 = vector.shape_cast %get3A_123 : vector<1x16xf32> to vector<16xf32>
        %get3A_125 = arith.index_cast %scan3A_83 : i32 to index
        %get3A_126 = arith.constant 0 : index
        %get3A_127 = tpu.vector_load %arg16[%get3A_125, %get3A_126] {strides = array<i32>} : memref<64x128xf32, #tpu.memory_space<vmem>>, vector<1x16xf32>,
        %get3A_128 = vector.shape_cast %get3A_127 : vector<1x16xf32> to vector<16xf32>
        %mul3A_129 = vector.broadcast %squeeze3A_118 : f32 to vector<16xf32>
        %mul3A_130 = arith.mulf %mul3A_129, %get3A_128 : vector<16xf32>
        %add3A_131 = arith.addf %get3A_124, %mul3A_130 : vector<16xf32>
        %mul3A_132 = vector.broadcast %squeeze3A_120 : f32 to vector<16xf32>
        %mul3A_133 = arith.mulf %add3A_131, %mul3A_132 : vector<16xf32>
        %swap3A = arith.index_cast %scan3A_83 : i32 to index
        %swap3A_134 = arith.constant 0 : index
        %swap3A_135 = tpu.vector_load %arg15[%swap3A, %swap3A_134] {strides = array<i32>} : memref<64x128xf32, #tpu.memory_space<vmem>>, vector<1x16xf32>,
        %swap3A_136 = vector.shape_cast %swap3A_135 : vector<1x16xf32> to vector<16xf32>
        %swap3A_137 = vector.shape_cast %mul3A_133 : vector<16xf32> to vector<1x16xf32>
        tpu.vector_store %arg15[%swap3A, %swap3A_134], %swap3A_137 {strides = array<i32>} : memref<64x128xf32, #tpu.memory_space<vmem>>, vector<1x16xf32>,
        %get3A_138 = arith.index_cast %scan3A_83 : i32 to index
        %get3A_139 = arith.constant 16 : index
        %get3A_140 = tpu.vector_load %arg15[%get3A_138, %get3A_139] {strides = array<i32>} : memref<64x128xf32, #tpu.memory_space<vmem>>, vector<1x16xf32>,
        %get3A_141 = vector.shape_cast %get3A_140 : vector<1x16xf32> to vector<16xf32>
        %get3A_142 = arith.index_cast %scan3A_83 : i32 to index
        %get3A_143 = arith.constant 16 : index
        %get3A_144 = tpu.vector_load %arg16[%get3A_142, %get3A_143] {strides = array<i32>} : memref<64x128xf32, #tpu.memory_space<vmem>>, vector<1x16xf32>,
        %get3A_145 = vector.shape_cast %get3A_144 : vector<1x16xf32> to vector<16xf32>
        %mul3A_146 = vector.broadcast %squeeze3A_118 : f32 to vector<16xf32>
        %mul3A_147 = arith.mulf %mul3A_146, %get3A_145 : vector<16xf32>
        %add3A_148 = arith.addf %get3A_141, %mul3A_147 : vector<16xf32>
        %mul3A_149 = vector.broadcast %squeeze3A_120 : f32 to vector<16xf32>
        %mul3A_150 = arith.mulf %add3A_148, %mul3A_149 : vector<16xf32>
        %swap3A_151 = arith.index_cast %scan3A_83 : i32 to index
        %swap3A_152 = arith.constant 16 : index
        %swap3A_153 = tpu.vector_load %arg15[%swap3A_151, %swap3A_152] {strides = array<i32>} : memref<64x128xf32, #tpu.memory_space<vmem>>, vector<1x16xf32>,
        %swap3A_154 = vector.shape_cast %swap3A_153 : vector<1x16xf32> to vector<16xf32>
        %swap3A_155 = vector.shape_cast %mul3A_150 : vector<16xf32> to vector<1x16xf32>
        tpu.vector_store %arg15[%swap3A_151, %swap3A_152], %swap3A_155 {strides = array<i32>} : memref<64x128xf32, #tpu.memory_space<vmem>>, vector<1x16xf32>,
        %slice3A_156 = vector.extract_strided_slice %exp3A {offsets = [1], sizes = [1], strides = [1]} : vector<16xf32> to vector<1xf32>
        %squeeze3A_157 = vector.extract %slice3A_156[0] : f32 from vector<1xf32>
        %slice3A_158 = vector.extract_strided_slice %div3A_116 {offsets = [1], sizes = [1], strides = [1]} : vector<16xf32> to vector<1xf32>
        %squeeze3A_159 = vector.extract %slice3A_158[0] : f32 from vector<1xf32>
        %get3A_160 = arith.index_cast %scan3A_83 : i32 to index
        %get3A_161 = arith.constant 32 : index
        %get3A_162 = tpu.vector_load %arg15[%get3A_160, %get3A_161] {strides = array<i32>} : memref<64x128xf32, #tpu.memory_space<vmem>>, vector<1x16xf32>,
        %get3A_163 = vector.shape_cast %get3A_162 : vector<1x16xf32> to vector<16xf32>
        %get3A_164 = arith.index_cast %scan3A_83 : i32 to index
        %get3A_165 = arith.constant 32 : index
        %get3A_166 = tpu.vector_load %arg16[%get3A_164, %get3A_165] {strides = array<i32>} : memref<64x128xf32, #tpu.memory_space<vmem>>, vector<1x16xf32>,
        %get3A_167 = vector.shape_cast %get3A_166 : vector<1x16xf32> to vector<16xf32>
        %mul3A_168 = vector.broadcast %squeeze3A_157 : f32 to vector<16xf32>
        %mul3A_169 = arith.mulf %mul3A_168, %get3A_167 : vector<16xf32>
        %add3A_170 = arith.addf %get3A_163, %mul3A_169 : vector<16xf32>
        %mul3A_171 = vector.broadcast %squeeze3A_159 : f32 to vector<16xf32>
        %mul3A_172 = arith.mulf %add3A_170, %mul3A_171 : vector<16xf32>
        %swap3A_173 = arith.index_cast %scan3A_83 : i32 to index
        %swap3A_174 = arith.constant 32 : index
        %swap3A_175 = tpu.vector_load %arg15[%swap3A_173, %swap3A_174] {strides = array<i32>} : memref<64x128xf32, #tpu.memory_space<vmem>>, vector<1x16xf32>,
        %swap3A_176 = vector.shape_cast %swap3A_175 : vector<1x16xf32> to vector<16xf32>
        %swap3A_177 = vector.shape_cast %mul3A_172 : vector<16xf32> to vector<1x16xf32>
        tpu.vector_store %arg15[%swap3A_173, %swap3A_174], %swap3A_177 {strides = array<i32>} : memref<64x128xf32, #tpu.memory_space<vmem>>, vector<1x16xf32>,
        %get3A_178 = arith.index_cast %scan3A_83 : i32 to index
        %get3A_179 = arith.constant 48 : index
        %get3A_180 = tpu.vector_load %arg15[%get3A_178, %get3A_179] {strides = array<i32>} : memref<64x128xf32, #tpu.memory_space<vmem>>, vector<1x16xf32>,
        %get3A_181 = vector.shape_cast %get3A_180 : vector<1x16xf32> to vector<16xf32>
        %get3A_182 = arith.index_cast %scan3A_83 : i32 to index
        %get3A_183 = arith.constant 48 : index
        %get3A_184 = tpu.vector_load %arg16[%get3A_182, %get3A_183] {strides = array<i32>} : memref<64x128xf32, #tpu.memory_space<vmem>>, vector<1x16xf32>,
        %get3A_185 = vector.shape_cast %get3A_184 : vector<1x16xf32> to vector<16xf32>
        %mul3A_186 = vector.broadcast %squeeze3A_157 : f32 to vector<16xf32>
        %mul3A_187 = arith.mulf %mul3A_186, %get3A_185 : vector<16xf32>
        %add3A_188 = arith.addf %get3A_181, %mul3A_187 : vector<16xf32>
        %mul3A_189 = vector.broadcast %squeeze3A_159 : f32 to vector<16xf32>
        %mul3A_190 = arith.mulf %add3A_188, %mul3A_189 : vector<16xf32>
        %swap3A_191 = arith.index_cast %scan3A_83 : i32 to index
        %swap3A_192 = arith.constant 48 : index
        %swap3A_193 = tpu.vector_load %arg15[%swap3A_191, %swap3A_192] {strides = array<i32>} : memref<64x128xf32, #tpu.memory_space<vmem>>, vector<1x16xf32>,
        %swap3A_194 = vector.shape_cast %swap3A_193 : vector<1x16xf32> to vector<16xf32>
        %swap3A_195 = vector.shape_cast %mul3A_190 : vector<16xf32> to vector<1x16xf32>
        tpu.vector_store %arg15[%swap3A_191, %swap3A_192], %swap3A_195 {strides = array<i32>} : memref<64x128xf32, #tpu.memory_space<vmem>>, vector<1x16xf32>,
        %slice3A_196 = vector.extract_strided_slice %exp3A {offsets = [2], sizes = [1], strides = [1]} : vector<16xf32> to vector<1xf32>
        %squeeze3A_197 = vector.extract %slice3A_196[0] : f32 from vector<1xf32>
        %slice3A_198 = vector.extract_strided_slice %div3A_116 {offsets = [2], sizes = [1], strides = [1]} : vector<16xf32> to vector<1xf32>
        %squeeze3A_199 = vector.extract %slice3A_198[0] : f32 from vector<1xf32>
        %get3A_200 = arith.index_cast %scan3A_83 : i32 to index
        %get3A_201 = arith.constant 64 : index
        %get3A_202 = tpu.vector_load %arg15[%get3A_200, %get3A_201] {strides = array<i32>} : memref<64x128xf32, #tpu.memory_space<vmem>>, vector<1x16xf32>,
        %get3A_203 = vector.shape_cast %get3A_202 : vector<1x16xf32> to vector<16xf32>
        %get3A_204 = arith.index_cast %scan3A_83 : i32 to index
        %get3A_205 = arith.constant 64 : index
        %get3A_206 = tpu.vector_load %arg16[%get3A_204, %get3A_205] {strides = array<i32>} : memref<64x128xf32, #tpu.memory_space<vmem>>, vector<1x16xf32>,
        %get3A_207 = vector.shape_cast %get3A_206 : vector<1x16xf32> to vector<16xf32>
        %mul3A_208 = vector.broadcast %squeeze3A_197 : f32 to vector<16xf32>
        %mul3A_209 = arith.mulf %mul3A_208, %get3A_207 : vector<16xf32>
        %add3A_210 = arith.addf %get3A_203, %mul3A_209 : vector<16xf32>
        %mul3A_211 = vector.broadcast %squeeze3A_199 : f32 to vector<16xf32>
        %mul3A_212 = arith.mulf %add3A_210, %mul3A_211 : vector<16xf32>
        %swap3A_213 = arith.index_cast %scan3A_83 : i32 to index
        %swap3A_214 = arith.constant 64 : index
        %swap3A_215 = tpu.vector_load %arg15[%swap3A_213, %swap3A_214] {strides = array<i32>} : memref<64x128xf32, #tpu.memory_space<vmem>>, vector<1x16xf32>,
        %swap3A_216 = vector.shape_cast %swap3A_215 : vector<1x16xf32> to vector<16xf32>
        %swap3A_217 = vector.shape_cast %mul3A_212 : vector<16xf32> to vector<1x16xf32>
        tpu.vector_store %arg15[%swap3A_213, %swap3A_214], %swap3A_217 {strides = array<i32>} : memref<64x128xf32, #tpu.memory_space<vmem>>, vector<1x16xf32>,
        %get3A_218 = arith.index_cast %scan3A_83 : i32 to index
        %get3A_219 = arith.constant 80 : index
        %get3A_220 = tpu.vector_load %arg15[%get3A_218, %get3A_219] {strides = array<i32>} : memref<64x128xf32, #tpu.memory_space<vmem>>, vector<1x16xf32>,
        %get3A_221 = vector.shape_cast %get3A_220 : vector<1x16xf32> to vector<16xf32>
        %get3A_222 = arith.index_cast %scan3A_83 : i32 to index
        %get3A_223 = arith.constant 80 : index
        %get3A_224 = tpu.vector_load %arg16[%get3A_222, %get3A_223] {strides = array<i32>} : memref<64x128xf32, #tpu.memory_space<vmem>>, vector<1x16xf32>,
        %get3A_225 = vector.shape_cast %get3A_224 : vector<1x16xf32> to vector<16xf32>
        %mul3A_226 = vector.broadcast %squeeze3A_197 : f32 to vector<16xf32>
        %mul3A_227 = arith.mulf %mul3A_226, %get3A_225 : vector<16xf32>
        %add3A_228 = arith.addf %get3A_221, %mul3A_227 : vector<16xf32>
        %mul3A_229 = vector.broadcast %squeeze3A_199 : f32 to vector<16xf32>
        %mul3A_230 = arith.mulf %add3A_228, %mul3A_229 : vector<16xf32>
        %swap3A_231 = arith.index_cast %scan3A_83 : i32 to index
        %swap3A_232 = arith.constant 80 : index
        %swap3A_233 = tpu.vector_load %arg15[%swap3A_231, %swap3A_232] {strides = array<i32>} : memref<64x128xf32, #tpu.memory_space<vmem>>, vector<1x16xf32>,
        %swap3A_234 = vector.shape_cast %swap3A_233 : vector<1x16xf32> to vector<16xf32>
        %swap3A_235 = vector.shape_cast %mul3A_230 : vector<16xf32> to vector<1x16xf32>
        tpu.vector_store %arg15[%swap3A_231, %swap3A_232], %swap3A_235 {strides = array<i32>} : memref<64x128xf32, #tpu.memory_space<vmem>>, vector<1x16xf32>,
        %slice3A_236 = vector.extract_strided_slice %exp3A {offsets = [3], sizes = [1], strides = [1]} : vector<16xf32> to vector<1xf32>
        %squeeze3A_237 = vector.extract %slice3A_236[0] : f32 from vector<1xf32>
        %slice3A_238 = vector.extract_strided_slice %div3A_116 {offsets = [3], sizes = [1], strides = [1]} : vector<16xf32> to vector<1xf32>
        %squeeze3A_239 = vector.extract %slice3A_238[0] : f32 from vector<1xf32>
        %get3A_240 = arith.index_cast %scan3A_83 : i32 to index
        %get3A_241 = arith.constant 96 : index
        %get3A_242 = tpu.vector_load %arg15[%get3A_240, %get3A_241] {strides = array<i32>} : memref<64x128xf32, #tpu.memory_space<vmem>>, vector<1x16xf32>,
        %get3A_243 = vector.shape_cast %get3A_242 : vector<1x16xf32> to vector<16xf32>
        %get3A_244 = arith.index_cast %scan3A_83 : i32 to index
        %get3A_245 = arith.constant 96 : index
        %get3A_246 = tpu.vector_load %arg16[%get3A_244, %get3A_245] {strides = array<i32>} : memref<64x128xf32, #tpu.memory_space<vmem>>, vector<1x16xf32>,
        %get3A_247 = vector.shape_cast %get3A_246 : vector<1x16xf32> to vector<16xf32>
        %mul3A_248 = vector.broadcast %squeeze3A_237 : f32 to vector<16xf32>
        %mul3A_249 = arith.mulf %mul3A_248, %get3A_247 : vector<16xf32>
        %add3A_250 = arith.addf %get3A_243, %mul3A_249 : vector<16xf32>
        %mul3A_251 = vector.broadcast %squeeze3A_239 : f32 to vector<16xf32>
        %mul3A_252 = arith.mulf %add3A_250, %mul3A_251 : vector<16xf32>
        %swap3A_253 = arith.index_cast %scan3A_83 : i32 to index
        %swap3A_254 = arith.constant 96 : index
        %swap3A_255 = tpu.vector_load %arg15[%swap3A_253, %swap3A_254] {strides = array<i32>} : memref<64x128xf32, #tpu.memory_space<vmem>>, vector<1x16xf32>,
        %swap3A_256 = vector.shape_cast %swap3A_255 : vector<1x16xf32> to vector<16xf32>
        %swap3A_257 = vector.shape_cast %mul3A_252 : vector<16xf32> to vector<1x16xf32>
        tpu.vector_store %arg15[%swap3A_253, %swap3A_254], %swap3A_257 {strides = array<i32>} : memref<64x128xf32, #tpu.memory_space<vmem>>, vector<1x16xf32>,
        %get3A_258 = arith.index_cast %scan3A_83 : i32 to index
        %get3A_259 = arith.constant 112 : index
        %get3A_260 = tpu.vector_load %arg15[%get3A_258, %get3A_259] {strides = array<i32>} : memref<64x128xf32, #tpu.memory_space<vmem>>, vector<1x16xf32>,
        %get3A_261 = vector.shape_cast %get3A_260 : vector<1x16xf32> to vector<16xf32>
        %get3A_262 = arith.index_cast %scan3A_83 : i32 to index
        %get3A_263 = arith.constant 112 : index
        %get3A_264 = tpu.vector_load %arg16[%get3A_262, %get3A_263] {strides = array<i32>} : memref<64x128xf32, #tpu.memory_space<vmem>>, vector<1x16xf32>,
        %get3A_265 = vector.shape_cast %get3A_264 : vector<1x16xf32> to vector<16xf32>
        %mul3A_266 = vector.broadcast %squeeze3A_237 : f32 to vector<16xf32>
        %mul3A_267 = arith.mulf %mul3A_266, %get3A_265 : vector<16xf32>
        %add3A_268 = arith.addf %get3A_261, %mul3A_267 : vector<16xf32>
        %mul3A_269 = vector.broadcast %squeeze3A_239 : f32 to vector<16xf32>
        %mul3A_270 = arith.mulf %add3A_268, %mul3A_269 : vector<16xf32>
        %swap3A_271 = arith.index_cast %scan3A_83 : i32 to index
        %swap3A_272 = arith.constant 112 : index
        %swap3A_273 = tpu.vector_load %arg15[%swap3A_271, %swap3A_272] {strides = array<i32>} : memref<64x128xf32, #tpu.memory_space<vmem>>, vector<1x16xf32>,
        %swap3A_274 = vector.shape_cast %swap3A_273 : vector<1x16xf32> to vector<16xf32>
        %swap3A_275 = vector.shape_cast %mul3A_270 : vector<16xf32> to vector<1x16xf32>
        tpu.vector_store %arg15[%swap3A_271, %swap3A_272], %swap3A_275 {strides = array<i32>} : memref<64x128xf32, #tpu.memory_space<vmem>>, vector<1x16xf32>,
        %scan3A_276 = arith.constant 0 : i32
        scf.yield %scan3A_276 : i32
      }
      %scan3A_80 = arith.constant 64 : i32
      %add3A_81 = arith.addi %mul3A_0, %add3A_70 : i32
      "tpu.region"() ({
        %run_scoped3A = tpu.sem_alloc : memref<!tpu.dma_semaphore, #tpu.memory_space<semaphore_mem>>
        %dma_start3A = arith.constant 0 : i32
        %dma_start3A_83 = tpu.memref_slice %arg8[%add3A_81, %dma_start3A] : memref<20480x128xf32, #tpu.memory_space<hbm>> -> memref<64x128xf32, #tpu.memory_space<hbm>>
        %dma_start3A_84 = arith.constant 0 : i32
        %dma_start3A_85 = tpu.memref_slice %arg8[%add3A_81, %dma_start3A_84] : memref<20480x128xf32, #tpu.memory_space<hbm>> -> memref<64x128xf32, #tpu.memory_space<hbm>>
        tpu.enqueue_dma source(%arg15 : memref<64x128xf32, #tpu.memory_space<vmem>>) target(%dma_start3A_85 : memref<64x128xf32, #tpu.memory_space<hbm>>) target_semaphore(%run_scoped3A : memref<!tpu.dma_semaphore, #tpu.memory_space<semaphore_mem>>)
        %dma_wait3A = arith.constant 0 : i32
        %dma_wait3A_86 = tpu.memref_slice %arg8[%add3A_81, %dma_wait3A] : memref<20480x128xf32, #tpu.memory_space<hbm>> -> memref<64x128xf32, #tpu.memory_space<hbm>>
        %dma_wait3A_87 = arith.constant 0 : i32
        %dma_wait3A_88 = tpu.memref_slice %arg8[%add3A_81, %dma_wait3A_87] : memref<20480x128xf32, #tpu.memory_space<hbm>> -> memref<64x128xf32, #tpu.memory_space<hbm>>
        tpu.wait_dma2 semaphore(%run_scoped3A : memref<!tpu.dma_semaphore, #tpu.memory_space<semaphore_mem>>) src(%arg15 : memref<64x128xf32, #tpu.memory_space<vmem>>) dst(%dma_wait3A_88 : memref<64x128xf32, #tpu.memory_space<hbm>>)
        tpu.yield
      }) : () -> ()
      %scan3A_82 = arith.constant 0 : i32
      scf.yield %scan3A_82 : i32
    }
    %scan3A_63 = arith.constant 10 : i32
    return
  }
}

module attributes {stable_mosaic.version = 14 : i64} {
  func.func @_prog_body(%arg0: i32, %arg1: memref<512x128xf32, #tpu.memory_space<vmem>>, %arg2: memref<128x128xf32, #tpu.memory_space<vmem>>, %arg3: memref<128x128xf32, #tpu.memory_space<vmem>>, %arg4: memref<2x128x16xf32, #tpu.memory_space<vmem>>, %arg5: memref<2x128x16xf32, #tpu.memory_space<vmem>>, %arg6: memref<2x512x128xf32, #tpu.memory_space<vmem>>, %arg7: memref<2x512x16xf32, #tpu.memory_space<vmem>>, %arg8: memref<2x512x16xf32, #tpu.memory_space<vmem>>) attributes {dimension_semantics = [#tpu.dimension_semantics<arbitrary>], iteration_bounds = array<i64: 20>, scalar_prefetch = 0 : i64, scratch_operands = 0 : i64, tpu.core_type = #tpu.core_type<tc>, window_params = [{transform_indices = @transform_0, window_bounds = array<i64: 512, 128>}, {pipeline_mode = #tpu.pipeline_mode<synchronous>, transform_indices = @transform_1, window_bounds = array<i64: 128, 128>}, {pipeline_mode = #tpu.pipeline_mode<synchronous>, transform_indices = @transform_2, window_bounds = array<i64: 128, 128>}, {pipeline_mode = #tpu.pipeline_mode<synchronous>, transform_indices = @transform_3, window_bounds = array<i64: 2, 128, 16>}, {pipeline_mode = #tpu.pipeline_mode<synchronous>, transform_indices = @transform_4, window_bounds = array<i64: 2, 128, 16>}, {transform_indices = @transform_5, window_bounds = array<i64: 2, 512, 128>}, {transform_indices = @transform_6, window_bounds = array<i64: 2, 512, 16>}, {transform_indices = @transform_7, window_bounds = array<i64: 2, 512, 16>}]} {
    %get3A = arith.constant 0 : index
    %get3A_0 = arith.constant 0 : index
    %get3A_1 = vector.load %arg1[%get3A, %get3A_0] : memref<512x128xf32, #tpu.memory_space<vmem>>, vector<512x128xf32>
    %get3A_2 = arith.constant 0 : index
    %get3A_3 = arith.constant 0 : index
    %get3A_4 = vector.load %arg2[%get3A_2, %get3A_3] : memref<128x128xf32, #tpu.memory_space<vmem>>, vector<128x128xf32>
    %dot_general3A = arith.constant dense<0.000000e+00> : vector<512x128xf32>
    %dot_general3A_5 = tpu.matmul %get3A_1, %get3A_4, %dot_general3A {dimension_numbers = #tpu.dot_dimension_numbers<[1], [0], [0], [1], [0, 0, 1, 1], [], []>, transpose_lhs_hint = false} : vector<512x128xf32>, vector<128x128xf32>, vector<512x128xf32> -> vector<512x128xf32>
    %swap3A = arith.constant 0 : index
    %swap3A_6 = arith.constant 0 : index
    %swap3A_7 = arith.constant 0 : index
    %swap3A_8 = vector.load %arg6[%swap3A, %swap3A_6, %swap3A_7] : memref<2x512x128xf32, #tpu.memory_space<vmem>>, vector<1x512x128xf32>
    %swap3A_9 = vector.shape_cast %swap3A_8 : vector<1x512x128xf32> to vector<512x128xf32>
    %swap3A_10 = vector.shape_cast %dot_general3A_5 : vector<512x128xf32> to vector<1x512x128xf32>
    tpu.vector_store %arg6[%swap3A, %swap3A_6, %swap3A_7], %swap3A_10 {strides = array<i32>} : memref<2x512x128xf32, #tpu.memory_space<vmem>>, vector<1x512x128xf32>,
    %get3A_11 = arith.constant 0 : index
    %get3A_12 = arith.constant 0 : index
    %get3A_13 = vector.load %arg3[%get3A_11, %get3A_12] : memref<128x128xf32, #tpu.memory_space<vmem>>, vector<128x128xf32>
    %dot_general3A_14 = arith.constant dense<0.000000e+00> : vector<512x128xf32>
    %dot_general3A_15 = tpu.matmul %get3A_1, %get3A_13, %dot_general3A_14 {dimension_numbers = #tpu.dot_dimension_numbers<[1], [0], [0], [1], [0, 0, 1, 1], [], []>, transpose_lhs_hint = false} : vector<512x128xf32>, vector<128x128xf32>, vector<512x128xf32> -> vector<512x128xf32>
    %swap3A_16 = arith.constant 1 : index
    %swap3A_17 = arith.constant 0 : index
    %swap3A_18 = arith.constant 0 : index
    %swap3A_19 = vector.load %arg6[%swap3A_16, %swap3A_17, %swap3A_18] : memref<2x512x128xf32, #tpu.memory_space<vmem>>, vector<1x512x128xf32>
    %swap3A_20 = vector.shape_cast %swap3A_19 : vector<1x512x128xf32> to vector<512x128xf32>
    %swap3A_21 = vector.shape_cast %dot_general3A_15 : vector<512x128xf32> to vector<1x512x128xf32>
    tpu.vector_store %arg6[%swap3A_16, %swap3A_17, %swap3A_18], %swap3A_21 {strides = array<i32>} : memref<2x512x128xf32, #tpu.memory_space<vmem>>, vector<1x512x128xf32>,
    %get3A_22 = arith.constant 0 : index
    %get3A_23 = arith.constant 0 : index
    %get3A_24 = arith.constant 0 : index
    %get3A_25 = vector.load %arg4[%get3A_22, %get3A_23, %get3A_24] : memref<2x128x16xf32, #tpu.memory_space<vmem>>, vector<1x128x16xf32>
    %get3A_26 = vector.shape_cast %get3A_25 : vector<1x128x16xf32> to vector<128x16xf32>
    %dot_general3A_27 = arith.constant dense<0.000000e+00> : vector<512x16xf32>
    %dot_general3A_28 = tpu.matmul %get3A_1, %get3A_26, %dot_general3A_27 {dimension_numbers = #tpu.dot_dimension_numbers<[1], [0], [0], [1], [0, 0, 1, 1], [], []>, transpose_lhs_hint = false} : vector<512x128xf32>, vector<128x16xf32>, vector<512x16xf32> -> vector<512x16xf32>
    %swap3A_29 = arith.constant 0 : index
    %swap3A_30 = arith.constant 0 : index
    %swap3A_31 = arith.constant 0 : index
    %swap3A_32 = vector.load %arg7[%swap3A_29, %swap3A_30, %swap3A_31] : memref<2x512x16xf32, #tpu.memory_space<vmem>>, vector<1x512x16xf32>
    %swap3A_33 = vector.shape_cast %swap3A_32 : vector<1x512x16xf32> to vector<512x16xf32>
    %swap3A_34 = vector.shape_cast %dot_general3A_28 : vector<512x16xf32> to vector<1x512x16xf32>
    tpu.vector_store %arg7[%swap3A_29, %swap3A_30, %swap3A_31], %swap3A_34 {strides = array<i32>} : memref<2x512x16xf32, #tpu.memory_space<vmem>>, vector<1x512x16xf32>,
    %get3A_35 = arith.constant 1 : index
    %get3A_36 = arith.constant 0 : index
    %get3A_37 = arith.constant 0 : index
    %get3A_38 = vector.load %arg4[%get3A_35, %get3A_36, %get3A_37] : memref<2x128x16xf32, #tpu.memory_space<vmem>>, vector<1x128x16xf32>
    %get3A_39 = vector.shape_cast %get3A_38 : vector<1x128x16xf32> to vector<128x16xf32>
    %dot_general3A_40 = arith.constant dense<0.000000e+00> : vector<512x16xf32>
    %dot_general3A_41 = tpu.matmul %get3A_1, %get3A_39, %dot_general3A_40 {dimension_numbers = #tpu.dot_dimension_numbers<[1], [0], [0], [1], [0, 0, 1, 1], [], []>, transpose_lhs_hint = false} : vector<512x128xf32>, vector<128x16xf32>, vector<512x16xf32> -> vector<512x16xf32>
    %swap3A_42 = arith.constant 1 : index
    %swap3A_43 = arith.constant 0 : index
    %swap3A_44 = arith.constant 0 : index
    %swap3A_45 = vector.load %arg7[%swap3A_42, %swap3A_43, %swap3A_44] : memref<2x512x16xf32, #tpu.memory_space<vmem>>, vector<1x512x16xf32>
    %swap3A_46 = vector.shape_cast %swap3A_45 : vector<1x512x16xf32> to vector<512x16xf32>
    %swap3A_47 = vector.shape_cast %dot_general3A_41 : vector<512x16xf32> to vector<1x512x16xf32>
    tpu.vector_store %arg7[%swap3A_42, %swap3A_43, %swap3A_44], %swap3A_47 {strides = array<i32>} : memref<2x512x16xf32, #tpu.memory_space<vmem>>, vector<1x512x16xf32>,
    %get3A_48 = arith.constant 0 : index
    %get3A_49 = arith.constant 0 : index
    %get3A_50 = arith.constant 0 : index
    %get3A_51 = vector.load %arg5[%get3A_48, %get3A_49, %get3A_50] : memref<2x128x16xf32, #tpu.memory_space<vmem>>, vector<1x128x16xf32>
    %get3A_52 = vector.shape_cast %get3A_51 : vector<1x128x16xf32> to vector<128x16xf32>
    %dot_general3A_53 = arith.constant dense<0.000000e+00> : vector<512x16xf32>
    %dot_general3A_54 = tpu.matmul %get3A_1, %get3A_52, %dot_general3A_53 {dimension_numbers = #tpu.dot_dimension_numbers<[1], [0], [0], [1], [0, 0, 1, 1], [], []>, transpose_lhs_hint = false} : vector<512x128xf32>, vector<128x16xf32>, vector<512x16xf32> -> vector<512x16xf32>
    %swap3A_55 = arith.constant 0 : index
    %swap3A_56 = arith.constant 0 : index
    %swap3A_57 = arith.constant 0 : index
    %swap3A_58 = vector.load %arg8[%swap3A_55, %swap3A_56, %swap3A_57] : memref<2x512x16xf32, #tpu.memory_space<vmem>>, vector<1x512x16xf32>
    %swap3A_59 = vector.shape_cast %swap3A_58 : vector<1x512x16xf32> to vector<512x16xf32>
    %swap3A_60 = vector.shape_cast %dot_general3A_54 : vector<512x16xf32> to vector<1x512x16xf32>
    tpu.vector_store %arg8[%swap3A_55, %swap3A_56, %swap3A_57], %swap3A_60 {strides = array<i32>} : memref<2x512x16xf32, #tpu.memory_space<vmem>>, vector<1x512x16xf32>,
    %get3A_61 = arith.constant 1 : index
    %get3A_62 = arith.constant 0 : index
    %get3A_63 = arith.constant 0 : index
    %get3A_64 = vector.load %arg5[%get3A_61, %get3A_62, %get3A_63] : memref<2x128x16xf32, #tpu.memory_space<vmem>>, vector<1x128x16xf32>
    %get3A_65 = vector.shape_cast %get3A_64 : vector<1x128x16xf32> to vector<128x16xf32>
    %dot_general3A_66 = arith.constant dense<0.000000e+00> : vector<512x16xf32>
    %dot_general3A_67 = tpu.matmul %get3A_1, %get3A_65, %dot_general3A_66 {dimension_numbers = #tpu.dot_dimension_numbers<[1], [0], [0], [1], [0, 0, 1, 1], [], []>, transpose_lhs_hint = false} : vector<512x128xf32>, vector<128x16xf32>, vector<512x16xf32> -> vector<512x16xf32>
    %swap3A_68 = arith.constant 1 : index
    %swap3A_69 = arith.constant 0 : index
    %swap3A_70 = arith.constant 0 : index
    %swap3A_71 = vector.load %arg8[%swap3A_68, %swap3A_69, %swap3A_70] : memref<2x512x16xf32, #tpu.memory_space<vmem>>, vector<1x512x16xf32>
    %swap3A_72 = vector.shape_cast %swap3A_71 : vector<1x512x16xf32> to vector<512x16xf32>
    %swap3A_73 = vector.shape_cast %dot_general3A_67 : vector<512x16xf32> to vector<1x512x16xf32>
    tpu.vector_store %arg8[%swap3A_68, %swap3A_69, %swap3A_70], %swap3A_73 {strides = array<i32>} : memref<2x512x16xf32, #tpu.memory_space<vmem>>, vector<1x512x16xf32>,
    return
  }
  func.func @transform_0(%arg0: i32) -> (i32, i32) {
    %c0_i32 = arith.constant 0 : i32
    %c0_i32_0 = arith.constant 0 : i32
    return %arg0, %c0_i32 : i32, i32
  }
  func.func @transform_1(%arg0: i32) -> (i32, i32) {
    %c0_i32 = arith.constant 0 : i32
    %c0_i32_0 = arith.constant 0 : i32
    %c0_i32_1 = arith.constant 0 : i32
    return %c0_i32, %c0_i32_0 : i32, i32
  }
  func.func @transform_2(%arg0: i32) -> (i32, i32) {
    %c0_i32 = arith.constant 0 : i32
    %c0_i32_0 = arith.constant 0 : i32
    %c0_i32_1 = arith.constant 0 : i32
    return %c0_i32, %c0_i32_0 : i32, i32
  }
  func.func @transform_3(%arg0: i32) -> (i32, i32, i32) {
    %c0_i32 = arith.constant 0 : i32
    %c0_i32_0 = arith.constant 0 : i32
    %c0_i32_1 = arith.constant 0 : i32
    %c0_i32_2 = arith.constant 0 : i32
    return %c0_i32, %c0_i32_0, %c0_i32_1 : i32, i32, i32
  }
  func.func @transform_4(%arg0: i32) -> (i32, i32, i32) {
    %c0_i32 = arith.constant 0 : i32
    %c0_i32_0 = arith.constant 0 : i32
    %c0_i32_1 = arith.constant 0 : i32
    %c0_i32_2 = arith.constant 0 : i32
    return %c0_i32, %c0_i32_0, %c0_i32_1 : i32, i32, i32
  }
  func.func @transform_5(%arg0: i32) -> (i32, i32, i32) {
    %c0_i32 = arith.constant 0 : i32
    %c0_i32_0 = arith.constant 0 : i32
    %c0_i32_1 = arith.constant 0 : i32
    return %c0_i32, %arg0, %c0_i32_0 : i32, i32, i32
  }
  func.func @transform_6(%arg0: i32) -> (i32, i32, i32) {
    %c0_i32 = arith.constant 0 : i32
    %c0_i32_0 = arith.constant 0 : i32
    %c0_i32_1 = arith.constant 0 : i32
    return %c0_i32, %arg0, %c0_i32_0 : i32, i32, i32
  }
  func.func @transform_7(%arg0: i32) -> (i32, i32, i32) {
    %c0_i32 = arith.constant 0 : i32
    %c0_i32_0 = arith.constant 0 : i32
    %c0_i32_1 = arith.constant 0 : i32
    return %c0_i32, %arg0, %c0_i32_0 : i32, i32, i32
  }
}

module attributes {stable_mosaic.version = 14 : i64} {
  func.func @_se_body(%arg0: i32, %arg1: i32, %arg2: memref<512x128xf32, #tpu.memory_space<vmem>>, %arg3: memref<1x128x128xf32, #tpu.memory_space<vmem>>, %arg4: memref<1x128xf32, #tpu.memory_space<vmem>>, %arg5: memref<1x512x128xf32, #tpu.memory_space<vmem>>) attributes {dimension_semantics = [#tpu.dimension_semantics<arbitrary>, #tpu.dimension_semantics<arbitrary>], iteration_bounds = array<i64: 2, 79>, scalar_prefetch = 0 : i64, scratch_operands = 0 : i64, tpu.core_type = #tpu.core_type<tc>, window_params = [{transform_indices = @transform_0, window_bounds = array<i64: 512, 128>}, {transform_indices = @transform_1, window_bounds = array<i64: 1, 128, 128>}, {pipeline_mode = #tpu.pipeline_mode<synchronous>, transform_indices = @transform_2, window_bounds = array<i64: 1, 128>}, {transform_indices = @transform_3, window_bounds = array<i64: 1, 512, 128>}]} {
    %get3A = arith.constant 0 : index
    %get3A_0 = arith.constant 0 : index
    %get3A_1 = vector.load %arg2[%get3A, %get3A_0] : memref<512x128xf32, #tpu.memory_space<vmem>>, vector<512x128xf32>
    %get3A_2 = arith.constant 0 : index
    %get3A_3 = arith.constant 0 : index
    %get3A_4 = arith.constant 0 : index
    %get3A_5 = vector.load %arg3[%get3A_2, %get3A_3, %get3A_4] : memref<1x128x128xf32, #tpu.memory_space<vmem>>, vector<1x128x128xf32>
    %get3A_6 = vector.shape_cast %get3A_5 : vector<1x128x128xf32> to vector<128x128xf32>
    %dot_general3A = arith.constant dense<0.000000e+00> : vector<512x128xf32>
    %dot_general3A_7 = tpu.matmul %get3A_1, %get3A_6, %dot_general3A {dimension_numbers = #tpu.dot_dimension_numbers<[1], [0], [0], [1], [0, 0, 1, 1], [], []>, transpose_lhs_hint = false} : vector<512x128xf32>, vector<128x128xf32>, vector<512x128xf32> -> vector<512x128xf32>
    %get3A_8 = arith.constant 0 : index
    %get3A_9 = arith.constant 0 : index
    %get3A_10 = vector.load %arg4[%get3A_8, %get3A_9] : memref<1x128xf32, #tpu.memory_space<vmem>>, vector<1x128xf32>
    %add3A = vector.broadcast %get3A_10 : vector<1x128xf32> to vector<512x128xf32>
    %add3A_11 = arith.addf %dot_general3A_7, %add3A : vector<512x128xf32>
    %swap3A = arith.constant 0 : index
    %swap3A_12 = arith.constant 0 : index
    %swap3A_13 = arith.constant 0 : index
    %swap3A_14 = vector.load %arg5[%swap3A, %swap3A_12, %swap3A_13] : memref<1x512x128xf32, #tpu.memory_space<vmem>>, vector<1x512x128xf32>
    %swap3A_15 = vector.shape_cast %swap3A_14 : vector<1x512x128xf32> to vector<512x128xf32>
    %swap3A_16 = vector.shape_cast %add3A_11 : vector<512x128xf32> to vector<1x512x128xf32>
    tpu.vector_store %arg5[%swap3A, %swap3A_12, %swap3A_13], %swap3A_16 {strides = array<i32>} : memref<1x512x128xf32, #tpu.memory_space<vmem>>, vector<1x512x128xf32>,
    return
  }
  func.func @transform_0(%arg0: i32, %arg1: i32) -> (i32, i32) {
    %c0_i32 = arith.constant 0 : i32
    %c0_i32_0 = arith.constant 0 : i32
    return %arg1, %c0_i32 : i32, i32
  }
  func.func @transform_1(%arg0: i32, %arg1: i32) -> (i32, i32, i32) {
    %c0_i32 = arith.constant 0 : i32
    %c0_i32_0 = arith.constant 0 : i32
    %c0_i32_1 = arith.constant 0 : i32
    return %arg0, %c0_i32, %c0_i32_0 : i32, i32, i32
  }
  func.func @transform_2(%arg0: i32, %arg1: i32) -> (i32, i32) {
    %c0_i32 = arith.constant 0 : i32
    %c0_i32_0 = arith.constant 0 : i32
    %c0_i32_1 = arith.constant 0 : i32
    return %c0_i32, %c0_i32_0 : i32, i32
  }
  func.func @transform_3(%arg0: i32, %arg1: i32) -> (i32, i32, i32) {
    %c0_i32 = arith.constant 0 : i32
    %c0_i32_0 = arith.constant 0 : i32
    return %arg0, %arg1, %c0_i32 : i32, i32, i32
  }
}

module attributes {stable_mosaic.version = 14 : i64} {
  func.func @_epi_body(%arg0: i32, %arg1: memref<2x512x128xf32, #tpu.memory_space<vmem>>, %arg2: memref<1x128xf32, #tpu.memory_space<vmem>>, %arg3: memref<1x128xf32, #tpu.memory_space<vmem>>, %arg4: memref<128x128xf32, #tpu.memory_space<vmem>>, %arg5: memref<1x128xf32, #tpu.memory_space<vmem>>, %arg6: memref<512x128xf32, #tpu.memory_space<vmem>>) attributes {dimension_semantics = [#tpu.dimension_semantics<arbitrary>], iteration_bounds = array<i64: 20>, scalar_prefetch = 0 : i64, scratch_operands = 0 : i64, tpu.core_type = #tpu.core_type<tc>, window_params = [{transform_indices = @transform_0, window_bounds = array<i64: 2, 512, 128>}, {pipeline_mode = #tpu.pipeline_mode<synchronous>, transform_indices = @transform_1, window_bounds = array<i64: 1, 128>}, {pipeline_mode = #tpu.pipeline_mode<synchronous>, transform_indices = @transform_2, window_bounds = array<i64: 1, 128>}, {pipeline_mode = #tpu.pipeline_mode<synchronous>, transform_indices = @transform_3, window_bounds = array<i64: 128, 128>}, {pipeline_mode = #tpu.pipeline_mode<synchronous>, transform_indices = @transform_4, window_bounds = array<i64: 1, 128>}, {transform_indices = @transform_5, window_bounds = array<i64: 512, 128>}]} {
    %get3A = arith.constant 0 : index
    %get3A_0 = arith.constant 0 : index
    %get3A_1 = arith.constant 0 : index
    %get3A_2 = vector.load %arg1[%get3A, %get3A_0, %get3A_1] : memref<2x512x128xf32, #tpu.memory_space<vmem>>, vector<1x512x128xf32>
    %get3A_3 = vector.shape_cast %get3A_2 : vector<1x512x128xf32> to vector<512x128xf32>
    %get3A_4 = arith.constant 0 : index
    %get3A_5 = arith.constant 0 : index
    %get3A_6 = vector.load %arg2[%get3A_4, %get3A_5] : memref<1x128xf32, #tpu.memory_space<vmem>>, vector<1x128xf32>
    %get3A_7 = arith.constant 1 : index
    %get3A_8 = arith.constant 0 : index
    %get3A_9 = arith.constant 0 : index
    %get3A_10 = vector.load %arg1[%get3A_7, %get3A_8, %get3A_9] : memref<2x512x128xf32, #tpu.memory_space<vmem>>, vector<1x512x128xf32>
    %get3A_11 = vector.shape_cast %get3A_10 : vector<1x512x128xf32> to vector<512x128xf32>
    %mul3A = vector.broadcast %get3A_6 : vector<1x128xf32> to vector<512x128xf32>
    %mul3A_12 = arith.mulf %mul3A, %get3A_11 : vector<512x128xf32>
    %sub3A = arith.subf %get3A_3, %mul3A_12 : vector<512x128xf32>
    %mul3A_13 = arith.mulf %sub3A, %sub3A : vector<512x128xf32>
    %reduce_sum3A = arith.constant dense<0.000000e+00> : vector<512xf32>
    %reduce_sum3A_14 = vector.multi_reduction <add>, %mul3A_13, %reduce_sum3A [1] : vector<512x128xf32> to vector<512xf32>
    %broadcast_in_dim3A = vector.shape_cast %reduce_sum3A_14 : vector<512xf32> to vector<512x1xf32>
    %div3A = arith.constant 1.280000e+02 : f32
    %div3A_15 = vector.broadcast %div3A : f32 to vector<512x1xf32>
    %div3A_16 = arith.divf %broadcast_in_dim3A, %div3A_15 : vector<512x1xf32>
    %add3A = arith.constant 9.99999974E-6 : f32
    %add3A_17 = vector.broadcast %add3A : f32 to vector<512x1xf32>
    %add3A_18 = arith.addf %div3A_16, %add3A_17 : vector<512x1xf32>
    %sqrt3A = math.sqrt %add3A_18 : vector<512x1xf32>
    %div3A_19 = vector.broadcast %sqrt3A : vector<512x1xf32> to vector<512x128xf32>
    %div3A_20 = arith.divf %sub3A, %div3A_19 : vector<512x128xf32>
    %get3A_21 = arith.constant 0 : index
    %get3A_22 = arith.constant 0 : index
    %get3A_23 = vector.load %arg3[%get3A_21, %get3A_22] : memref<1x128xf32, #tpu.memory_space<vmem>>, vector<1x128xf32>
    %mul3A_24 = vector.broadcast %get3A_23 : vector<1x128xf32> to vector<512x128xf32>
    %mul3A_25 = arith.mulf %div3A_20, %mul3A_24 : vector<512x128xf32>
    %mul3A_26 = arith.constant 2.000000e-01 : f32
    %mul3A_27 = vector.broadcast %mul3A_26 : f32 to vector<512x128xf32>
    %mul3A_28 = arith.mulf %mul3A_25, %mul3A_27 : vector<512x128xf32>
    %get3A_29 = arith.constant 0 : index
    %get3A_30 = arith.constant 0 : index
    %get3A_31 = vector.load %arg4[%get3A_29, %get3A_30] : memref<128x128xf32, #tpu.memory_space<vmem>>, vector<128x128xf32>
    %dot_general3A = arith.constant dense<0.000000e+00> : vector<512x128xf32>
    %dot_general3A_32 = tpu.matmul %mul3A_28, %get3A_31, %dot_general3A {dimension_numbers = #tpu.dot_dimension_numbers<[1], [0], [0], [1], [0, 0, 1, 1], [], []>, transpose_lhs_hint = false} : vector<512x128xf32>, vector<128x128xf32>, vector<512x128xf32> -> vector<512x128xf32>
    %get3A_33 = arith.constant 0 : index
    %get3A_34 = arith.constant 0 : index
    %get3A_35 = vector.load %arg5[%get3A_33, %get3A_34] : memref<1x128xf32, #tpu.memory_space<vmem>>, vector<1x128xf32>
    %add3A_36 = vector.broadcast %get3A_35 : vector<1x128xf32> to vector<512x128xf32>
    %add3A_37 = arith.addf %dot_general3A_32, %add3A_36 : vector<512x128xf32>
    %swap3A = arith.constant 0 : index
    %swap3A_38 = arith.constant 0 : index
    %swap3A_39 = vector.load %arg6[%swap3A, %swap3A_38] : memref<512x128xf32, #tpu.memory_space<vmem>>, vector<512x128xf32>
    tpu.vector_store %arg6[%swap3A, %swap3A_38], %add3A_37 {strides = array<i32>} : memref<512x128xf32, #tpu.memory_space<vmem>>, vector<512x128xf32>,
    return
  }
  func.func @transform_0(%arg0: i32) -> (i32, i32, i32) {
    %c0_i32 = arith.constant 0 : i32
    %c0_i32_0 = arith.constant 0 : i32
    %c0_i32_1 = arith.constant 0 : i32
    return %c0_i32, %arg0, %c0_i32_0 : i32, i32, i32
  }
  func.func @transform_1(%arg0: i32) -> (i32, i32) {
    %c0_i32 = arith.constant 0 : i32
    %c0_i32_0 = arith.constant 0 : i32
    %c0_i32_1 = arith.constant 0 : i32
    return %c0_i32, %c0_i32_0 : i32, i32
  }
  func.func @transform_2(%arg0: i32) -> (i32, i32) {
    %c0_i32 = arith.constant 0 : i32
    %c0_i32_0 = arith.constant 0 : i32
    %c0_i32_1 = arith.constant 0 : i32
    return %c0_i32, %c0_i32_0 : i32, i32
  }
  func.func @transform_3(%arg0: i32) -> (i32, i32) {
    %c0_i32 = arith.constant 0 : i32
    %c0_i32_0 = arith.constant 0 : i32
    %c0_i32_1 = arith.constant 0 : i32
    return %c0_i32, %c0_i32_0 : i32, i32
  }
  func.func @transform_4(%arg0: i32) -> (i32, i32) {
    %c0_i32 = arith.constant 0 : i32
    %c0_i32_0 = arith.constant 0 : i32
    %c0_i32_1 = arith.constant 0 : i32
    return %c0_i32, %c0_i32_0 : i32, i32
  }
  func.func @transform_5(%arg0: i32) -> (i32, i32) {
    %c0_i32 = arith.constant 0 : i32
    %c0_i32_0 = arith.constant 0 : i32
    return %arg0, %c0_i32 : i32, i32
  }
}

</mosaic_0001>

<sc_bundles>
// kernel: kernel.6.cloned.1.call-start
scs
__scs_entry_jumppad:
0x0: {  	(pc) =	sbr.rel $0x88, $3  }
0x1: {  	(tag) =	ssettag $0x0;
	lr =	simm.s32 $0x1  }
0x2: {  	[smem:$0x3F8C] =	sst lr;
	_ =	strace $0xD0000000  }
0x3: {  	_ = 	snop  }
0x4: {  	_ = 	snop  }
0x5: {  	_ = 	snop  }
0x6: {  	_ = 	snop  }
0x7: {  	_ = 	snop  }
__scs_overlays_trampoline_lowered:
0x8: {  	[smem:$0x3F9B] =	sst s0  }
0x9: {  	[smem:$0x3F9C] =	sst s1  }
0xa: {  	[smem:$0x3F9D] =	sst s2  }
0xb: {  	[smem:$0x3F9E] =	sst s3  }
0xc: {  	[smem:$0x3F9F] =	sst s4  }
0xd: {  	[smem:$0x3FA0] =	sst s5  }
0xe: {  	[smem:$0x3FA1] =	sst s6  }
0xf: {  	[smem:$0x3FA2] =	sst s7  }
0x10: {  	[smem:$0x3FA3] =	sst s8  }
0x11: {  	[smem:$0x3FA4] =	sst s9;
	s0 =	simm.s32 @!p0 $0x0  }
0x12: {  	s1 =	sld [smem:$0x3F8A];
	s0 =	simm.s32 @p0 $0x1  }
0x13: {  	[smem:$0x3FA5] =	sst s0;
	s0 =	simm.s32 @!p1 $0x0  }
0x14: {  	s2 =	sld [smem:$0x3F89];
	s0 =	simm.s32 @p1 $0x1  }
0x15: {  	[smem:$0x3FA6] =	sst s0;
	s0 =	simm.s32 @!p2 $0x0  }
0x16: {  	s3 =	sld [smem:$0x3FDB];
	s0 =	simm.s32 @p2 $0x1  }
0x17: {  	s4 =	simm.s32 $0x1BF5;
	[smem:$0x3FA8] =	sst s0  }
0x18: {  	s0 =	sld [smem:$0x3F8B];
	_ =	swait.ge [sflag:s4], $0x0  }
0x19: {  	s7 =	sld [smem:$0x3F8C]  }
0x1a: {  	s8 =	sadd.s32 $0xFFFFE003, lr  }
0x1b: {  	s9 =	sadd.s32 $0xFFFFFEF7, lr;
	s5 =	simm.s32 $0xFFFFFFFF;
	p2 =	slt.u32 s8, $0xFFFFF086  }
0x1c: {  	p1 =	slt.u32 s9, $0xF7A;
	s5 =	simm.s32 @!p2 $0x0  }
0x1d: {  	s5 =	simm.s32 @p1 $0x1;
	p0 =	seq.s32 s7, s2  }
0x1e: {  	s7 =	smul.u32 @!p0 $0xF7A, s2;
	p2 =	seq.s32 @!p0 s5, $0x0  }
0x1f: {  	s9 =	smul.u32 $0xF7A, s1;
	s8 =	simm.s32 @!p0 $0x1BF5;
	p2 =	por !p2, p0  }
0x20: {  	[sflag:s8] =	ssyncset.s32 @!p0 $0xFFFFF086;
	s6 =	sadd.s32 @!p0 s3, s7;
	s7 =	simm.s32 @!p0 $0x108  }
0x21: {  	s3 =	sadd.s32 s3, s9;
	s6 =	sadd.s32 @!p0 $0x88, s6;
	s7 =	simm.s32 @p2 $0x1082  }
0x22: {  	[simem:s7], [sflag:s8] =	dma.local @!p0 [hbm:s6], $0xF7A  }
0x23: {  	s9 =	sor.u32 $0xD0000000, s2;
	s6 =	simm.s32 $0x108;
	_ =	swait.ge @!p0 [sflag:s8], $0x0  }
0x24: {  	s3 =	sadd.s32 $0x88, s3;
	s6 =	simm.s32 @!p1 $0x1082;
	[sflag:s4] =	ssyncset.s32 $0xFFFFF086  }
0x25: {  	[simem:s6], [sflag:s4] =	dma.local [hbm:s3], $0xF7A  }
0x26: {  	[smem:$0x3F8C] =	sst s1;
	(tag) =	ssettag s2;
	_ =	strace s9  }
0x27: {  	s1 =	sld [smem:$0x3F9C]  }
0x28: {  	s2 =	sld [smem:$0x3F9D]  }
0x29: {  	s4 =	sld [smem:$0x3F9F]  }
0x2a: {  	p0 =	seq.s32 s5, $0x0;
	s5 =	sld [smem:$0x3FA0]  }
0x2b: {  	s6 =	sld [smem:$0x3FA1]  }
0x2c: {  	s7 =	sld [smem:$0x3FA2]  }
0x2d: {  	s3 =	simm.s32 $0x108;
	s8 =	sld [smem:$0x3FA3]  }
0x2e: {  	s3 =	simm.s32 @!p0 $0x1082;
	s9 =	sld [smem:$0x3FA4]  }
0x2f: {  	lr =	sadd.s32 s0, s3;
	s0 =	sld [smem:$0x3F9B]  }
0x30: {  	s3 =	sld [smem:$0x3F9E]  }
0x31: {  	[smem:$0x3FA7] =	sst s10  }
0x32: {  	s10 =	sld [smem:$0x3FA5];
	_ =	sdelay $0x3  }
0x33: {  	p0 =	seq.s32 s10, $0x1;
	s10 =	sld [smem:$0x3FA7];
	_ =	sdelay $0x3  }
0x34: {  	[smem:$0x3FA7] =	sst s10  }
0x35: {  	s10 =	sld [smem:$0x3FA6];
	_ =	sdelay $0x3  }
0x36: {  	p1 =	seq.s32 s10, $0x1;
	s10 =	sld [smem:$0x3FA7];
	_ =	sdelay $0x3  }
0x37: {  	[smem:$0x3FA7] =	sst s10  }
0x38: {  	s10 =	sld [smem:$0x3FA8]  }
0x39: {  	_ = 	snop;
	(pc) =	sbr.ind lr, $3  }
0x3a: {  	_ = 	snop  }
0x3b: {  	_ = 	snop  }
0x3c: {  	p2 =	seq.s32 s10, $0x1;
	s10 =	sld [smem:$0x3FA7]  }
0x3d: {  	_ =	shalt  }
0x3e: {  	_ =	shalt  }
0x3f: {  	_ =	shalt  }
0x40: {  	_ =	shalt  }
0x41: {  	_ =	shalt  }
0x42: {  	_ =	shalt  }
0x43: {  	_ =	shalt  }
0x44: {  	_ =	shalt  }
0x45: {  	_ =	shalt  }
0x46: {  	_ =	shalt  }
0x47: {  	_ =	shalt  }
0x48: {  	_ =	shalt  }
0x49: {  	_ =	shalt  }
0x4a: {  	_ =	shalt  }
0x4b: {  	_ =	shalt  }
0x4c: {  	_ =	shalt  }
0x4d: {  	_ =	shalt  }
0x4e: {  	_ =	shalt  }
0x4f: {  	_ =	shalt  }
0x50: {  	_ =	shalt  }
0x51: {  	_ =	shalt  }
0x52: {  	_ =	shalt  }
0x53: {  	_ =	shalt  }
0x54: {  	_ =	shalt  }
0x55: {  	_ =	shalt  }
0x56: {  	_ =	shalt  }
0x57: {  	_ =	shalt  }
0x58: {  	_ =	shalt  }
0x59: {  	_ =	shalt  }
0x5a: {  	_ =	shalt  }
0x5b: {  	_ =	shalt  }
0x5c: {  	_ =	shalt  }
0x5d: {  	_ =	shalt  }
0x5e: {  	_ =	shalt  }
0x5f: {  	_ =	shalt  }
0x60: {  	_ =	shalt  }
0x61: {  	_ =	shalt  }
0x62: {  	_ =	shalt  }
0x63: {  	_ =	shalt  }
0x64: {  	_ =	shalt  }
0x65: {  	_ =	shalt  }
0x66: {  	_ =	shalt  }
0x67: {  	_ =	shalt  }
0x68: {  	_ =	shalt  }
0x69: {  	_ =	shalt  }
0x6a: {  	_ =	shalt  }
0x6b: {  	_ =	shalt  }
0x6c: {  	_ =	shalt  }
0x6d: {  	_ =	shalt  }
0x6e: {  	_ =	shalt  }
0x6f: {  	_ =	shalt  }
0x70: {  	_ =	shalt  }
0x71: {  	_ =	shalt  }
0x72: {  	_ =	shalt  }
0x73: {  	_ =	shalt  }
0x74: {  	_ =	shalt  }
0x75: {  	_ =	shalt  }
0x76: {  	_ =	shalt  }
0x77: {  	_ =	shalt  }
0x78: {  	_ =	shalt  }
0x79: {  	_ =	shalt  }
0x7a: {  	_ =	shalt  }
0x7b: {  	_ =	shalt  }
0x7c: {  	_ =	shalt  }
0x7d: {  	_ =	shalt  }
0x7e: {  	_ =	shalt  }
0x7f: {  	_ =	shalt  }
0x80: {  	_ =	shalt  }
0x81: {  	_ =	shalt  }
0x82: {  	_ =	shalt  }
0x83: {  	_ =	shalt  }
0x84: {  	_ =	shalt  }
0x85: {  	_ =	shalt  }
0x86: {  	_ =	shalt  }
0x87: {  	_ =	shalt  }
.Lfunc_end0:
.L_simem_size_0:
called_computation_lowered:
.L_overlay_start_0:
0x88: {  	s2 =	sld [smem:$0x3FD9]  }
0x89: {  	s3 =	sld [smem:$0x3FFE];
	_ =	sdelay $0x1  }
0x8a: {  	s1 =	srdreg.scid  }
0x8b: {  	s0 =	sand.u32 $0x1, s1  }
0x8c: {  	s17 =	sshll.u32 s0, $0xA;
	s2 =	sadd.s32 s3, s2  }
0x8d: {  	s2 =	sadd.s32 s2, s17  }
0x8e: {  	[smem:$0x3FB3] =	sst s2  }
0x8f: {  	_ = 	snop  }
0x90: {  	s2 =	sld [smem:$0x3FD0];
	(tm) =	ssettm $0x1  }
0x91: {  	s18 =	sld [smem:$0x3FFB];
	_ =	sdelay $0x3  }
0x92: {  	_ =	strace s18  }
0x93: {  	s3 =	sld [smem:$0x3FFC];
	_ =	sdelay $0x3  }
0x94: {  	_ =	strace s3  }
0x95: {  	s3 =	sld [smem:$0x3FFD];
	_ =	sdelay $0x3  }
0x96: {  	_ =	strace s3  }
0x97: {  	_ =	strace $0x8FFFFFFF  }
0x98: {  	s19 =	sld [smem:$0x3FDB];
	_ =	sdelay $0x1  }
0x99: {  	s4 =	simm.s32 $_scs_section_size  }
0x9a: {  	s5 =	simm.s32 $_size__tile_overlayer_lowered;
	s6 =	simm.s32 $_tile_overlayer_lowered  }
0x9b: {  	s22 =	simm.s32 $0x1BFF;
	s21 =	sshll.u32 s6, $0x1;
	s3 =	sadd.s32 s4, s19  }
0x9c: {  	s7 =	simm.s32 $0x0;
	s20 =	sshll.u32 s5, $0x1;
	s5 =	sadd.s32 s21, s3  }
0x9d: {  	[timem:s7], [sflag:s22] =	dma.local [hbm:s5], s20  }
0x9e: {  	_ =	swait.ge [sflag:s22], s20  }
0x9f: {  	s4 =	ssub.s32 $0x0, s20;
	[sflag:s22] =	ssyncset.done $0x0  }
0xa0: {  	[sflag:s22] =	ssyncadd.s32 s4;
	_ =	sdelay $0x1  }
0xa1: {  	s23 =	simm.s32 $0x1B8B  }
0xa2: {  	_ =	swait.ge [sflag:s23], $0x1  }
0xa3: {  	[sflag:s23] =	ssyncset.done $0x0  }
0xa4: {  	s25 =	simm.s32 $0x1B8E;
	s24 =	sld [smem:$0x3FFE];
	[sflag:s23] =	ssyncadd.s32 $0xFFFFFFFF  }
0xa5: {  	s26 =	simm.s32 $execute0_lowered;
	[smem:$0x3FD2] =	sst s25  }
0xa6: {  	s5 =	sshll.u32 s26, $0x1;
	_ =	strace $0x80000046;
	[dreg:$0x1] =	wrdreg $0xFFFFFFFF  }
0xa7: {  	s28 =	simm.s32 $_size_execute0_lowered;
	s3 =	sadd.s32 s3, s5;
	[dreg:$0x0] =	wrdreg $0x0  }
0xa8: {  	s5 =	sshll.u32 s28, $0x1;
	[dreg:$0x2] =	wrdreg s3  }
0xa9: {  	[dreg:$0x3] =	wrdreg s5  }
0xaa: {  	[dreg:$0x4] =	wrdreg $0xC0  }
0xab: {  	_ =	task [dreg:s7], $0x5FFFF  }
0xac: {  	[dreg:$0x1] =	wrdreg $0xFFFFFFFF  }
0xad: {  	[dreg:$0x0] =	wrdreg $0x60  }
0xae: {  	[dreg:$0x2] =	wrdreg s24  }
0xaf: {  	[dreg:$0x3] =	wrdreg s2  }
0xb0: {  	[dreg:$0x4] =	wrdreg $0x50C00  }
0xb1: {  	[dreg:$0x5] =	wrdreg $0x190C00  }
0xb2: {  	[dreg:$0x6] =	wrdreg $0x1B8C00  }
0xb3: {  	[dreg:$0x7] =	wrdreg $0x9  }
0xb4: {  	_ =	task.clear_ibuf [dreg:s7], $0x8FFFF;
	_ =	strace $0x90000046  }
0xb5: {  	s29 =	simm.s32 $0x9;
	_ =	strace $0x80000048  }
0xb6: {  	_ =	swait.ge [sflag:s29], $0x1  }
0xb7: {  	[sflag:s29] =	ssyncadd.s32 $0xFFFFFFFF  }
0xb8: {  	_ =	strace $0x90000048  }
0xb9: {  	_ =	sfence  }
0xba: {  	s30 =	sld [smem:$0x0];
	_ =	sdelay $0x2  }
0xbb: {  	s31 =	sshll.u32 s1, $0xD;
	s1 =	sshrl.u32 s1, $0x2  }
0xbc: {  	s3 =	sand.u32 $0x4000, s31;
	s1 =	sadd.s32 s1, s30  }
0xbd: {  	s0 =	sor.u32 s3, s0;
	s1 =	sshll.u32 s1, $0x11  }
0xbe: {  	s0 =	sor.u32 s1, s0  }
0xbf: {  	s0 =	sadd.s32 $0x8F2B, s0  }
0xc0: {  	[sflag:s0] =	ssyncadd.remote.s32 $0x1  }
0xc1: {  	_ =	sfence.sel $0xFFFF  }
0xc2: {  	[dreg:$0x0] =	wrdreg $0xFFFFFFFF;
	(pc) =	sbr.abs _section_cstart, $3  }
0xc3: {  	[dreg:$0x1] =	wrdreg $0xFFFFFFFF  }
0xc4: {  	_ =	task.clear_ibuf [dreg:s7], $0x2FFFF;
	_ =	strace $0x9FFFFFFF  }
0xc5: {  	(tm) =	ssettm $0x7FFFFFFF  }
tec
execute0_lowered:
.L_overlay_start_1:
0x0: {  	(tag) =	ssettag $0x1  }
0x1: {  	s1 =	rddreg [dreg:$0x0]  }
0x2: {  	s2 =	rddreg [dreg:$0x2]  }
0x3: {  	s3 =	rddreg [dreg:$0x3]  }
0x4: {  	s4 =	rddreg [dreg:$0x4]  }
0x5: {  	s0 =	simm.s32 $0x0;
	s25 =	srdreg.scid;
	s15 =	stileid.u32  }
0x6: {  	s30 =	simm.s32 $0x2CC0;
	s31 =	simm.s32 $0x4;
	[smem:$0x7FF] =	sst s0  }
0x7: {  	s6 =	sadd.s32 $0xA4800, s1;
	s8 =	sadd.s32 $0x4800, s1;
	s9 =	sadd.s32 $0xF4800, s1  }
0x8: {  	s10 =	sadd.s32 $0x18600, s1;
	s11 =	sadd.s32 $0xE800, s1;
	s5 =	smul.u32 $0x50000, s15  }
0x9: {  	s0 =	sand.u32 $0x1, s25;
	s12 =	sadd.s32 $0x22400, s1;
	s13 =	smul.u32 $0x280, s15  }
0xa: {  	s14 =	smul.u32 $0x2800, s15;
	s29 =	sshll.u32 s15, $0x6;
	s26 =	ssub.s32 $0x2, s0  }
0xb: {  	s15 =	simm.s32 $0xC0;
	_ =	strace $0x80000047;
	s7 =	sshrl.u32 s26, $0x1  }
0xc: {  	s5 =	sshrl.u32 s5, $0x2;
	s28 =	sor.u32 $0x40, s13;
	s16 =	sadd.s32 s14, s3  }
0xd: {  	s17 =	sadd.s32 s14, s4;
	s19 =	sadd.s32 $0x80, s13;
	s23 =	sadd.s32 $0xC0, s13  }
0xe: {  	s14 =	simm.s32 $0x8C0;
	s1 =	ssub.s32 s26, s7;
	[dreg:$0x7] =	wrdreg s16  }
0xf: {  	s5 =	sadd.s32 s5, s2;
	[dreg:$0x8] =	wrdreg s17;
	s18 =	sshll.u32 s28, $0x7  }
0x10: {  	s21 =	sshll.u32 s19, $0x7;
	s22 =	sshll.u32 s19, $0x4;
	s25 =	sshll.u32 s23, $0x7  }
0x11: {  	s26 =	sshll.u32 s23, $0x4;
	[dreg:$0x6] =	wrdreg s5;
	s7 =	sadd.s32 s18, s2  }
0x12: {  	s19 =	sadd.s32 $0x140, s13;
	s24 =	sadd.s32 s22, s3;
	[dreg:$0x9] =	wrdreg s7  }
0x13: {  	s5 =	sshll.u32 s28, $0x4;
	s16 =	sadd.s32 s26, s3;
	[dreg:$0xd] =	wrdreg s24  }
0x14: {  	s23 =	sadd.s32 $0x180, s13;
	s20 =	sadd.s32 s5, s3;
	[dreg:$0x10] =	wrdreg s16  }
0x15: {  	s28 =	sadd.s32 $0x100, s13;
	s5 =	sadd.s32 s5, s4;
	[dreg:$0xa] =	wrdreg s20  }
0x16: {  	s18 =	sshll.u32 s28, $0x4;
	[dreg:$0xb] =	wrdreg s5;
	s5 =	sadd.s32 s21, s2  }
0x17: {  	s17 =	sshll.u32 s28, $0x7;
	s20 =	sadd.s32 s18, s3;
	[dreg:$0xc] =	wrdreg s5  }
0x18: {  	s28 =	sadd.s32 $0x1C0, s13;
	s5 =	sadd.s32 s22, s4;
	[dreg:$0x13] =	wrdreg s20  }
0x19: {  	s22 =	sshll.u32 s19, $0x4;
	[dreg:$0xe] =	wrdreg s5;
	s5 =	sadd.s32 s25, s2  }
0x1a: {  	s21 =	sshll.u32 s19, $0x7;
	s24 =	sadd.s32 s22, s3;
	[dreg:$0xf] =	wrdreg s5  }
0x1b: {  	s19 =	sadd.s32 $0x200, s13;
	s5 =	sadd.s32 s26, s4;
	[dreg:$0x16] =	wrdreg s24  }
0x1c: {  	s26 =	sshll.u32 s23, $0x4;
	[dreg:$0x11] =	wrdreg s5;
	s5 =	sadd.s32 s17, s2  }
0x1d: {  	s25 =	sshll.u32 s23, $0x7;
	s16 =	sadd.s32 s26, s3;
	[dreg:$0x12] =	wrdreg s5  }
0x1e: {  	s17 =	sshll.u32 s28, $0x7;
	s5 =	sadd.s32 s18, s4;
	[dreg:$0x19] =	wrdreg s16  }
0x1f: {  	s18 =	sshll.u32 s28, $0x4;
	s28 =	smax.u32 s1, $0x1;
	[dreg:$0x14] =	wrdreg s5  }
0x20: {  	s23 =	sadd.s32 $0x240, s13;
	s5 =	sadd.s32 s21, s2;
	[smem:$0x7FD] =	sst s28  }
0x21: {  	s20 =	sadd.s32 s18, s3;
	s21 =	sshll.u32 s19, $0x7;
	[dreg:$0x15] =	wrdreg s5  }
0x22: {  	s5 =	sadd.s32 s22, s4;
	[dreg:$0x1c] =	wrdreg s20;
	s22 =	sshll.u32 s19, $0x4  }
0x23: {  	s19 =	simm.s32 $0x1;
	[dreg:$0x17] =	wrdreg s5;
	s5 =	sadd.s32 s25, s2  }
0x24: {  	s20 =	simm.s32 $0x2;
	s24 =	sadd.s32 s22, s3;
	[dreg:$0x18] =	wrdreg s5  }
0x25: {  	s25 =	sshll.u32 s23, $0x7;
	s5 =	sadd.s32 s26, s4;
	[dreg:$0x1f] =	wrdreg s24  }
0x26: {  	s26 =	sshll.u32 s23, $0x4;
	[dreg:$0x1a] =	wrdreg s5;
	s5 =	sadd.s32 s17, s2  }
0x27: {  	s23 =	smul.u32 $0x2800, s0;
	s7 =	sadd.s32 s26, s3;
	[dreg:$0x1b] =	wrdreg s5  }
0x28: {  	s17 =	simm.s32 $0x4C0;
	s5 =	sadd.s32 s18, s4;
	[smem:$0x7FB] =	sst s7  }
0x29: {  	s7 =	simm.s32 $0x40;
	[dreg:$0x1d] =	wrdreg s5;
	s5 =	sadd.s32 s21, s2  }
0x2a: {  	s18 =	simm.s32 $0xCC0;
	[dreg:$0x1e] =	wrdreg s5;
	s5 =	sadd.s32 s22, s4  }
0x2b: {  	s21 =	simm.s32 $0x3;
	[smem:$0x7F9] =	sst s5;
	s5 =	sadd.s32 s25, s2  }
0x2c: {  	[smem:$0x7FA] =	sst s5;
	s5 =	sadd.s32 s26, s4;
	s26 =	smul.u32 $0x4F000, s0  }
0x2d: {  	v1 =	vimm.f32 $0.0e+00;
	vm0 =	vmmov $0xff;
	v0 =	vmov s23;
	s0 =	simm.s32 $0x4CC0;
	[smem:$0x7FC] =	sst s5;
	s5 =	simm.s32 $0x0  }
.LBB2_1:
0x2e: {  	[smem:$0x7F8] =	sst s5;
	s5 =	simm.s32 $0x2D00  }
0x2f: {  	[tilespmem:s5+$0xFFFFFFD0] =	vst v1  }
0x30: {  	[tilespmem:s5+$0xFFFFFFE0] =	vst v1  }
0x31: {  	[tilespmem:s5+$0xFFFFFFF0] =	vst v1  }
0x32: {  	[tilespmem:s5+$0x0] =	vst v1  }
0x33: {  	[tilespmem:s5+$0x10] =	vst v1  }
0x34: {  	[tilespmem:s5+$0x20] =	vst v1  }
0x35: {  	[tilespmem:s5+$0x30] =	vst v1  }
0x36: {  	s16 =	simm.s32 $0x0;
	s1 =	simm.s32 $0x40;
	[tilespmem:s5+$0xFFFFFFC0] =	vst v1  }
.LBB2_2:
0x37: {  	p0 =	sne.s32 s1, $0xFC0;
	[tilespmem:s16+$0x4CC0] =	vst v1;
	s5 =	sadd.s32 $0x80, s5  }
0x38: {  	[tilespmem:s5+$0xFFFFFFD0] =	vst v1  }
0x39: {  	[tilespmem:s5+$0xFFFFFFE0] =	vst v1  }
0x3a: {  	[tilespmem:s5+$0xFFFFFFF0] =	vst v1  }
.Ltmp0:
0x3b: {  	[tilespmem:s5+$0x0] =	vst v1;
	(pc) =	sbr.rel @p0 .LBB2_2-.Ltmp0, $4  }
0x3c: {  	[tilespmem:s5+$0x10] =	vst v1  }
0x3d: {  	[tilespmem:s5+$0x20] =	vst v1  }
0x3e: {  	[tilespmem:s5+$0x30] =	vst v1  }
0x3f: {  	s16 =	sshra.s32 s1, $0x2;
	s1 =	sadd.s32 $0x40, s1;
	[tilespmem:s5+$0xFFFFFFC0] =	vst v1  }
0x40: {  	[tilespmem:s16+$0x4CC0] =	vst v1;
	s1 =	rddreg [dreg:$0x6]  }
0x41: {  	[spmem:s1] =	stream.linear.scatter [tilespmem:s30], [sflag:$0x4], $0x2000, $0x38;
	[tilespmem:$0x1E0C0] =	vst v63  }
0x42: {  	_ =	swait.ge [sflag:s31], $0x2000  }
0x43: {  	[sflag:s31] =	ssyncset.done $0x0  }
0x44: {  	s16 =	rddreg [dreg:$0x7];
	[sflag:s31] =	ssyncadd.s32 $0xFFFFE000  }
0x45: {  	[spmem:s16] =	stream.linear.scatter [tilespmem:s0], [sflag:$0x4], $0x400, $0x38;
	[tilespmem:$0x1E0C0] =	vst v63  }
0x46: {  	_ =	swait.ge [sflag:s31], $0x400  }
0x47: {  	[sflag:s31] =	ssyncset.done $0x0  }
0x48: {  	s22 =	rddreg [dreg:$0x8];
	[sflag:s31] =	ssyncadd.s32 $0xFFFFFC00  }
0x49: {  	[spmem:s22] =	stream.linear.scatter [tilespmem:s0], [sflag:$0x4], $0x400, $0x38;
	[tilespmem:$0x1E0C0] =	vst v63  }
0x4a: {  	_ =	swait.ge [sflag:s31], $0x400  }
0x4b: {  	[sflag:s31] =	ssyncset.done $0x0  }
0x4c: {  	s24 =	rddreg [dreg:$0x9];
	[sflag:s31] =	ssyncadd.s32 $0xFFFFFC00  }
0x4d: {  	[spmem:s24] =	stream.linear.scatter [tilespmem:s30], [sflag:$0x4], $0x2000, $0x38;
	[tilespmem:$0x1E0C0] =	vst v63  }
0x4e: {  	_ =	swait.ge [sflag:s31], $0x2000  }
0x4f: {  	[sflag:s31] =	ssyncset.done $0x0  }
0x50: {  	s25 =	rddreg [dreg:$0xa];
	[sflag:s31] =	ssyncadd.s32 $0xFFFFE000  }
0x51: {  	[spmem:s25] =	stream.linear.scatter [tilespmem:s0], [sflag:$0x4], $0x400, $0x38;
	[tilespmem:$0x1E0C0] =	vst v63  }
0x52: {  	_ =	swait.ge [sflag:s31], $0x400  }
0x53: {  	[sflag:s31] =	ssyncset.done $0x0  }
0x54: {  	s28 =	rddreg [dreg:$0xb];
	[sflag:s31] =	ssyncadd.s32 $0xFFFFFC00  }
0x55: {  	[spmem:s28] =	stream.linear.scatter [tilespmem:s0], [sflag:$0x4], $0x400, $0x38;
	[tilespmem:$0x1E0C0] =	vst v63  }
0x56: {  	_ =	swait.ge [sflag:s31], $0x400  }
0x57: {  	[sflag:s31] =	ssyncset.done $0x0  }
0x58: {  	s5 =	rddreg [dreg:$0xc];
	[sflag:s31] =	ssyncadd.s32 $0xFFFFFC00  }
0x59: {  	[spmem:s5] =	stream.linear.scatter [tilespmem:s30], [sflag:$0x4], $0x2000, $0x38;
	[tilespmem:$0x1E0C0] =	vst v63  }
0x5a: {  	_ =	swait.ge [sflag:s31], $0x2000  }
0x5b: {  	[sflag:s31] =	ssyncset.done $0x0  }
0x5c: {  	s16 =	rddreg [dreg:$0xd];
	[sflag:s31] =	ssyncadd.s32 $0xFFFFE000  }
0x5d: {  	[spmem:s16] =	stream.linear.scatter [tilespmem:s0], [sflag:$0x4], $0x400, $0x38;
	[tilespmem:$0x1E0C0] =	vst v63  }
0x5e: {  	_ =	swait.ge [sflag:s31], $0x400  }
0x5f: {  	[sflag:s31] =	ssyncset.done $0x0  }
0x60: {  	s22 =	rddreg [dreg:$0xe];
	[sflag:s31] =	ssyncadd.s32 $0xFFFFFC00  }
0x61: {  	[spmem:s22] =	stream.linear.scatter [tilespmem:s0], [sflag:$0x4], $0x400, $0x38;
	[tilespmem:$0x1E0C0] =	vst v63  }
0x62: {  	_ =	swait.ge [sflag:s31], $0x400  }
0x63: {  	[sflag:s31] =	ssyncset.done $0x0  }
0x64: {  	s24 =	rddreg [dreg:$0xf];
	[sflag:s31] =	ssyncadd.s32 $0xFFFFFC00  }
0x65: {  	[spmem:s24] =	stream.linear.scatter [tilespmem:s30], [sflag:$0x4], $0x2000, $0x38;
	[tilespmem:$0x1E0C0] =	vst v63  }
0x66: {  	_ =	swait.ge [sflag:s31], $0x2000  }
0x67: {  	[sflag:s31] =	ssyncset.done $0x0  }
0x68: {  	s25 =	rddreg [dreg:$0x10];
	[sflag:s31] =	ssyncadd.s32 $0xFFFFE000  }
0x69: {  	[spmem:s25] =	stream.linear.scatter [tilespmem:s0], [sflag:$0x4], $0x400, $0x38;
	[tilespmem:$0x1E0C0] =	vst v63  }
0x6a: {  	_ =	swait.ge [sflag:s31], $0x400  }
0x6b: {  	[sflag:s31] =	ssyncset.done $0x0  }
0x6c: {  	s28 =	rddreg [dreg:$0x11];
	[sflag:s31] =	ssyncadd.s32 $0xFFFFFC00  }
0x6d: {  	[spmem:s28] =	stream.linear.scatter [tilespmem:s0], [sflag:$0x4], $0x400, $0x38;
	[tilespmem:$0x1E0C0] =	vst v63  }
0x6e: {  	_ =	swait.ge [sflag:s31], $0x400  }
0x6f: {  	[sflag:s31] =	ssyncset.done $0x0  }
0x70: {  	s5 =	rddreg [dreg:$0x12];
	[sflag:s31] =	ssyncadd.s32 $0xFFFFFC00  }
0x71: {  	[spmem:s5] =	stream.linear.scatter [tilespmem:s30], [sflag:$0x4], $0x2000, $0x38;
	[tilespmem:$0x1E0C0] =	vst v63  }
0x72: {  	_ =	swait.ge [sflag:s31], $0x2000  }
0x73: {  	[sflag:s31] =	ssyncset.done $0x0  }
0x74: {  	s16 =	rddreg [dreg:$0x13];
	[sflag:s31] =	ssyncadd.s32 $0xFFFFE000  }
0x75: {  	[spmem:s16] =	stream.linear.scatter [tilespmem:s0], [sflag:$0x4], $0x400, $0x38;
	[tilespmem:$0x1E0C0] =	vst v63  }
0x76: {  	_ =	swait.ge [sflag:s31], $0x400  }
0x77: {  	[sflag:s31] =	ssyncset.done $0x0  }
0x78: {  	s22 =	rddreg [dreg:$0x14];
	[sflag:s31] =	ssyncadd.s32 $0xFFFFFC00  }
0x79: {  	[spmem:s22] =	stream.linear.scatter [tilespmem:s0], [sflag:$0x4], $0x400, $0x38;
	[tilespmem:$0x1E0C0] =	vst v63  }
0x7a: {  	_ =	swait.ge [sflag:s31], $0x400  }
0x7b: {  	[sflag:s31] =	ssyncset.done $0x0  }
0x7c: {  	s24 =	rddreg [dreg:$0x15];
	[sflag:s31] =	ssyncadd.s32 $0xFFFFFC00  }
0x7d: {  	[spmem:s24] =	stream.linear.scatter [tilespmem:s30], [sflag:$0x4], $0x2000, $0x38;
	[tilespmem:$0x1E0C0] =	vst v63  }
0x7e: {  	_ =	swait.ge [sflag:s31], $0x2000  }
0x7f: {  	[sflag:s31] =	ssyncset.done $0x0  }
0x80: {  	s25 =	rddreg [dreg:$0x16];
	[sflag:s31] =	ssyncadd.s32 $0xFFFFE000  }
0x81: {  	[spmem:s25] =	stream.linear.scatter [tilespmem:s0], [sflag:$0x4], $0x400, $0x38;
	[tilespmem:$0x1E0C0] =	vst v63  }
0x82: {  	_ =	swait.ge [sflag:s31], $0x400  }
0x83: {  	[sflag:s31] =	ssyncset.done $0x0  }
0x84: {  	s28 =	rddreg [dreg:$0x17];
	[sflag:s31] =	ssyncadd.s32 $0xFFFFFC00  }
0x85: {  	[spmem:s28] =	stream.linear.scatter [tilespmem:s0], [sflag:$0x4], $0x400, $0x38;
	[tilespmem:$0x1E0C0] =	vst v63  }
0x86: {  	_ =	swait.ge [sflag:s31], $0x400  }
0x87: {  	[sflag:s31] =	ssyncset.done $0x0  }
0x88: {  	s5 =	rddreg [dreg:$0x18];
	[sflag:s31] =	ssyncadd.s32 $0xFFFFFC00  }
0x89: {  	[spmem:s5] =	stream.linear.scatter [tilespmem:s30], [sflag:$0x4], $0x2000, $0x38;
	[tilespmem:$0x1E0C0] =	vst v63  }
0x8a: {  	_ =	swait.ge [sflag:s31], $0x2000  }
0x8b: {  	[sflag:s31] =	ssyncset.done $0x0  }
0x8c: {  	s16 =	rddreg [dreg:$0x19];
	[sflag:s31] =	ssyncadd.s32 $0xFFFFE000  }
0x8d: {  	[spmem:s16] =	stream.linear.scatter [tilespmem:s0], [sflag:$0x4], $0x400, $0x38;
	[tilespmem:$0x1E0C0] =	vst v63  }
0x8e: {  	_ =	swait.ge [sflag:s31], $0x400  }
0x8f: {  	[sflag:s31] =	ssyncset.done $0x0  }
0x90: {  	s22 =	rddreg [dreg:$0x1a];
	[sflag:s31] =	ssyncadd.s32 $0xFFFFFC00  }
0x91: {  	[spmem:s22] =	stream.linear.scatter [tilespmem:s0], [sflag:$0x4], $0x400, $0x38;
	[tilespmem:$0x1E0C0] =	vst v63  }
0x92: {  	_ =	swait.ge [sflag:s31], $0x400  }
0x93: {  	[sflag:s31] =	ssyncset.done $0x0  }
0x94: {  	s24 =	rddreg [dreg:$0x1b];
	[sflag:s31] =	ssyncadd.s32 $0xFFFFFC00  }
0x95: {  	[spmem:s24] =	stream.linear.scatter [tilespmem:s30], [sflag:$0x4], $0x2000, $0x38;
	[tilespmem:$0x1E0C0] =	vst v63  }
0x96: {  	_ =	swait.ge [sflag:s31], $0x2000  }
0x97: {  	[sflag:s31] =	ssyncset.done $0x0  }
0x98: {  	s25 =	rddreg [dreg:$0x1c];
	[sflag:s31] =	ssyncadd.s32 $0xFFFFE000  }
0x99: {  	[spmem:s25] =	stream.linear.scatter [tilespmem:s0], [sflag:$0x4], $0x400, $0x38;
	[tilespmem:$0x1E0C0] =	vst v63  }
0x9a: {  	_ =	swait.ge [sflag:s31], $0x400  }
0x9b: {  	[sflag:s31] =	ssyncset.done $0x0  }
0x9c: {  	s28 =	rddreg [dreg:$0x1d];
	[sflag:s31] =	ssyncadd.s32 $0xFFFFFC00  }
0x9d: {  	[spmem:s28] =	stream.linear.scatter [tilespmem:s0], [sflag:$0x4], $0x400, $0x38;
	[tilespmem:$0x1E0C0] =	vst v63  }
0x9e: {  	_ =	swait.ge [sflag:s31], $0x400  }
0x9f: {  	[sflag:s31] =	ssyncset.done $0x0  }
0xa0: {  	s5 =	rddreg [dreg:$0x1e];
	[sflag:s31] =	ssyncadd.s32 $0xFFFFFC00  }
0xa1: {  	[spmem:s5] =	stream.linear.scatter [tilespmem:s30], [sflag:$0x4], $0x2000, $0x38;
	[tilespmem:$0x1E0C0] =	vst v63  }
0xa2: {  	_ =	swait.ge [sflag:s31], $0x2000  }
0xa3: {  	[sflag:s31] =	ssyncset.done $0x0  }
0xa4: {  	s16 =	rddreg [dreg:$0x1f];
	[sflag:s31] =	ssyncadd.s32 $0xFFFFE000  }
0xa5: {  	[spmem:s16] =	stream.linear.scatter [tilespmem:s0], [sflag:$0x4], $0x400, $0x38;
	[tilespmem:$0x1E0C0] =	vst v63  }
0xa6: {  	_ =	swait.ge [sflag:s31], $0x400  }
0xa7: {  	s22 =	sld [smem:$0x7F9]  }
0xa8: {  	[sflag:s31] =	ssyncset.done $0x0  }
0xa9: {  	[sflag:s31] =	ssyncadd.s32 $0xFFFFFC00  }
0xaa: {  	[spmem:s22] =	stream.linear.scatter [tilespmem:s0], [sflag:$0x4], $0x400, $0x38;
	[tilespmem:$0x1E0C0] =	vst v63  }
0xab: {  	_ =	swait.ge [sflag:s31], $0x400  }
0xac: {  	s24 =	sld [smem:$0x7FA]  }
0xad: {  	[sflag:s31] =	ssyncset.done $0x0  }
0xae: {  	[sflag:s31] =	ssyncadd.s32 $0xFFFFFC00  }
0xaf: {  	[spmem:s24] =	stream.linear.scatter [tilespmem:s30], [sflag:$0x4], $0x2000, $0x38;
	[tilespmem:$0x1E0C0] =	vst v63  }
0xb0: {  	_ =	swait.ge [sflag:s31], $0x2000  }
0xb1: {  	s25 =	sld [smem:$0x7FB]  }
0xb2: {  	[sflag:s31] =	ssyncset.done $0x0  }
0xb3: {  	[sflag:s31] =	ssyncadd.s32 $0xFFFFE000  }
0xb4: {  	[spmem:s25] =	stream.linear.scatter [tilespmem:s0], [sflag:$0x4], $0x400, $0x38;
	[tilespmem:$0x1E0C0] =	vst v63  }
0xb5: {  	_ =	swait.ge [sflag:s31], $0x400  }
0xb6: {  	s28 =	sld [smem:$0x7FC]  }
0xb7: {  	[sflag:s31] =	ssyncset.done $0x0  }
0xb8: {  	[sflag:s31] =	ssyncadd.s32 $0xFFFFFC00  }
0xb9: {  	[spmem:s28] =	stream.linear.scatter [tilespmem:s0], [sflag:$0x4], $0x400, $0x38;
	[tilespmem:$0x1E0C0] =	vst v63  }
0xba: {  	_ =	swait.ge [sflag:s31], $0x400  }
0xbb: {  	[sflag:s31] =	ssyncset.done $0x0  }
0xbc: {  	[sflag:s31] =	ssyncadd.s32 $0xFFFFFC00  }
0xbd: {  	s5 =	simm.s32 $0x0;
	s22 =	simm.s32 $0x0;
	[bflag:$0x0] =	sbarrier.arrive $0xFFFF  }
.LBB2_4:
0xbe: {  	s1 =	sshll.u32 s22, $0xA  }
0xbf: {  	s1 =	sor.u32 s29, s1  }
0xc0: {  	s16 =	sshrl.u32 s1, $0x3  }
0xc1: {  	s24 =	sadd.s32 s10, s16  }
0xc2: {  	[tilespmem:s5], [sflag:$0x4] =	stream.linear.gather [hbm4b:s24+s5], $0x40, $0x38;
	[tilespmem:$0x1E0C0] =	vst v63  }
0xc3: {  	_ =	swait.ge [sflag:s31], $0x40  }
0xc4: {  	[sflag:s31] =	ssyncset.done $0x0  }
0xc5: {  	s16 =	sadd.s32 s11, s16;
	[sflag:s31] =	ssyncadd.s32 $0xFFFFFFC0  }
0xc6: {  	[tilespmem:s7], [sflag:$0x4] =	stream.linear.gather [hbm4b:s16+s5], $0x40, $0x38;
	[tilespmem:$0x1E0C0] =	vst v63  }
0xc7: {  	s1 =	sadd.s32 s26, s1;
	_ =	swait.ge [sflag:s31], $0x40  }
0xc8: {  	s1 =	sshll.u32 s1, $0x1;
	[sflag:s31] =	ssyncset.done $0x0  }
0xc9: {  	s1 =	sadd.s32 s9, s1;
	[sflag:s31] =	ssyncadd.s32 $0xFFFFFFC0  }
0xca: {  	[tilespmem:s14], [sflag:$0x4] =	stream.linear.gather [hbm4b:s1+s5], $0x400, $0x38;
	[tilespmem:$0x1E0C0] =	vst v63  }
0xcb: {  	_ =	swait.ge [sflag:s31], $0x400  }
0xcc: {  	[sflag:s31] =	ssyncset.done $0x0  }
0xcd: {  	[sflag:s31] =	ssyncadd.s32 $0xFFFFFC00  }
0xce: {  	v2 =	vld [tilespmem:$0x0]  }
0xcf: {  	v3 =	vld [tilespmem:$0x40]  }
0xd0: {  	v4 =	vld [tilespmem:$0x10]  }
0xd1: {  	v5 =	vld [tilespmem:$0x50]  }
0xd2: {  	v6 =	vld [tilespmem:$0x20]  }
0xd3: {  	v7 =	vld [tilespmem:$0x60];
	v2 =	vadd.s32 v0, v2  }
0xd4: {  	[tilespmem:$0x0] =	vst v2;
	v2 =	vadd.s32 v0, v3;
	v3 =	vld [tilespmem:$0x30]  }
0xd5: {  	v59 =	vld [tilespmem:$0x70];
	[tilespmem:$0x80] =	vst v2;
	v2 =	vadd.s32 v0, v4  }
0xd6: {  	[tilespmem:$0x10] =	vst v2;
	v2 =	vadd.s32 v0, v5  }
0xd7: {  	[tilespmem:$0x90] =	vst v2;
	v2 =	vadd.s32 v0, v6  }
0xd8: {  	[tilespmem:$0x20] =	vst v2;
	v2 =	vadd.s32 v0, v7  }
0xd9: {  	[tilespmem:$0xA0] =	vst v2;
	v2 =	vadd.s32 v0, v3  }
0xda: {  	[tilespmem:$0x30] =	vst v2;
	v2 =	vadd.s32 v0, v59  }
0xdb: {  	s16 =	rddreg [dreg:$0x1];
	[tilespmem:$0xB0] =	vst v2  }
0xdc: {  	[tilespmem:s15], [sflag:$0x1] =	stream.indirect.gather [hbm4b:s16+s7], $0x10, s5, s7, $0xb8;
	[tilespmem:$0x1E0C0] =	vst v63  }
0xdd: {  	s24 =	simm.s32 $0x80  }
0xde: {  	[tilespmem:s17], [sflag:$0x2] =	stream.indirect.gather [hbm4b:s8+s7], $0x10, s24, s7, $0xb8;
	[tilespmem:$0x1E0C0] =	vst v63  }
0xdf: {  	_ = 	snop  }
0xe0: {  	[tilespmem:s18], [sflag:$0x3] =	stream.indirect.gather [hbm4b:s6+s7], $0x80, s5, s7, $0xb8;
	[tilespmem:$0x1E0C0] =	vst v63  }
0xe1: {  	_ =	swait.ge [sflag:s19], $0x400  }
0xe2: {  	[sflag:s19] =	ssyncset.done $0x0  }
0xe3: {  	[sflag:s19] =	ssyncadd.s32 $0xFFFFFC00  }
0xe4: {  	_ =	swait.ge [sflag:s20], $0x400  }
0xe5: {  	[sflag:s20] =	ssyncset.done $0x0  }
0xe6: {  	[sflag:s20] =	ssyncadd.s32 $0xFFFFFC00  }
0xe7: {  	_ =	swait.ge [sflag:s21], $0x2000  }
0xe8: {  	[sflag:s21] =	ssyncset.done $0x0  }
0xe9: {  	s25 =	simm.s32 $0x0;
	[sflag:s21] =	ssyncadd.s32 $0xFFFFE000  }
0xea: {  	v2 =	vld [tilespmem:s25+$0xC0]  }
0xeb: {  	v3 =	vld [tilespmem:s25+$0x4C0];
	_ =	sdelay $0x1  }
0xec: {  	v60 =	vld [tilespmem:s25+$0x8C0];
	_ =	sdelay $0x2  }
0xed: {  	v2 =	vadd.f32 v3, v2;
	_ =	sdelay $0x1  }
0xee: {  	v2 =	vadd.f32 v60, v2;
	_ =	sdelay $0x1  }
0xef: {  	v3 =	vmul.f32 $2.000000030e-01, v2  }
0xf0: {  	vm1 =	vge.f32 v2, $0.0e+00  }
0xf1: {  	v2 =	vsel vm1, v2, v3  }
0xf2: {  	v2 =	vmul.f32 $1.442695020e+00, v2;
	_ =	sdelay $0x1  }
0xf3: {  	(erf) = vpow2.f32 v2;
	_ =	sdelay $0x8  }
0xf4: {  	v2 =	vpop (erf)  }
0xf5: {  	v3 =	vnsel vm0, $0x0, v2  }
0xf6: {  	s16 =	simm.s32 $0xD00;
	[tilespmem:s25+$0x4CC0] =	vst v3  }
0xf7: {  	v3 =	vld [tilespmem:s16+$0xFFFFFFC0];
	_ =	sdelay $0x2  }
0xf8: {  	v61 =	vbroadcast v2, $0x0;
	_ =	sdelay $0x1  }
0xf9: {  	v3 =	vmul.f32 v61, v3  }
0xfa: {  	s24 =	simm.s32 $0x2D00  }
0xfb: {  	[tilespmem:s24+$0xFFFFFFC0] =	vst v3  }
0xfc: {  	v3 =	vld [tilespmem:s16+$0xFFFFFFD0];
	_ =	sdelay $0x4  }
0xfd: {  	v3 =	vmul.f32 v61, v3;
	_ =	sdelay $0x1  }
0xfe: {  	[tilespmem:s24+$0xFFFFFFD0] =	vst v3  }
0xff: {  	v3 =	vld [tilespmem:s16+$0xFFFFFFE0];
	_ =	sdelay $0x2  }
0x100: {  	v62 =	vbroadcast v2, $0x1;
	_ =	sdelay $0x1  }
0x101: {  	v3 =	vmul.f32 v62, v3;
	_ =	sdelay $0x1  }
0x102: {  	[tilespmem:s24+$0xFFFFFFE0] =	vst v3  }
0x103: {  	v3 =	vld [tilespmem:s16+$0xFFFFFFF0];
	_ =	sdelay $0x4  }
0x104: {  	v3 =	vmul.f32 v3, v62;
	_ =	sdelay $0x1  }
0x105: {  	[tilespmem:s24+$0xFFFFFFF0] =	vst v3  }
0x106: {  	v3 =	vld [tilespmem:s16+$0x0];
	_ =	sdelay $0x2  }
0x107: {  	v63 =	vbroadcast v2, $0x2;
	_ =	sdelay $0x1  }
0x108: {  	v3 =	vmul.f32 v3, v63;
	_ =	sdelay $0x1  }
0x109: {  	[tilespmem:s24+$0x0] =	vst v3  }
0x10a: {  	v3 =	vld [tilespmem:s16+$0x10];
	_ =	sdelay $0x4  }
0x10b: {  	v3 =	vmul.f32 v3, v63;
	_ =	sdelay $0x1  }
0x10c: {  	[tilespmem:s24+$0x10] =	vst v3  }
0x10d: {  	v3 =	vld [tilespmem:s16+$0x20];
	_ =	sdelay $0x2  }
0x10e: {  	v2 =	vbroadcast v2, $0x3;
	_ =	sdelay $0x1  }
0x10f: {  	v3 =	vmul.f32 v3, v2;
	_ =	sdelay $0x1  }
0x110: {  	[tilespmem:s24+$0x20] =	vst v3  }
0x111: {  	v3 =	vld [tilespmem:s16+$0x30];
	_ =	sdelay $0x4  }
0x112: {  	s28 =	simm.s32 $0x2D00;
	s25 =	simm.s32 $0x40;
	v2 =	vmul.f32 v3, v2  }
.LBB2_5:
0x113: {  	p0 =	sne.s32 s25, $0xFC0;
	s24 =	sadd.s32 $0x80, s24;
	s16 =	sadd.s32 $0x80, s16  }
0x114: {  	s1 =	sshra.s32 s25, $0x2;
	s25 =	sadd.s32 $0x40, s25;
	[tilespmem:s28+$0x30] =	vst v2;
	s28 =	smov.u32 s24  }
0x115: {  	v2 =	vld [tilespmem:s1+$0xC0]  }
0x116: {  	v3 =	vld [tilespmem:s1+$0x4C0]  }
0x117: {  	v4 =	vld [tilespmem:s1+$0x8C0];
	_ =	sdelay $0x3  }
0x118: {  	v2 =	vadd.f32 v3, v2;
	_ =	sdelay $0x1  }
0x119: {  	v2 =	vadd.f32 v4, v2;
	_ =	sdelay $0x1  }
0x11a: {  	vm1 =	vge.f32 v2, $0.0e+00;
	v3 =	vmul.f32 $2.000000030e-01, v2;
	_ =	sdelay $0x1  }
0x11b: {  	v2 =	vsel vm1, v2, v3  }
0x11c: {  	v2 =	vmul.f32 $1.442695020e+00, v2;
	_ =	sdelay $0x1  }
0x11d: {  	(erf) = vpow2.f32 v2;
	_ =	sdelay $0x8  }
0x11e: {  	v2 =	vpop (erf)  }
0x11f: {  	v3 =	vnsel vm0, $0x0, v2  }
0x120: {  	[tilespmem:s1+$0x4CC0] =	vst v3  }
0x121: {  	v3 =	vld [tilespmem:s16+$0xFFFFFFC0];
	_ =	sdelay $0x1  }
0x122: {  	v4 =	vbroadcast v2, $0x0;
	_ =	sdelay $0x2  }
0x123: {  	v3 =	vmul.f32 v4, v3;
	_ =	sdelay $0x1  }
0x124: {  	[tilespmem:s24+$0xFFFFFFC0] =	vst v3  }
0x125: {  	v3 =	vld [tilespmem:s16+$0xFFFFFFD0];
	_ =	sdelay $0x4  }
0x126: {  	v3 =	vmul.f32 v4, v3;
	_ =	sdelay $0x1  }
0x127: {  	[tilespmem:s24+$0xFFFFFFD0] =	vst v3  }
0x128: {  	v3 =	vld [tilespmem:s16+$0xFFFFFFE0];
	_ =	sdelay $0x1  }
0x129: {  	v4 =	vbroadcast v2, $0x1;
	_ =	sdelay $0x2  }
0x12a: {  	v3 =	vmul.f32 v4, v3;
	_ =	sdelay $0x1  }
0x12b: {  	[tilespmem:s24+$0xFFFFFFE0] =	vst v3  }
0x12c: {  	v3 =	vld [tilespmem:s16+$0xFFFFFFF0];
	_ =	sdelay $0x4  }
0x12d: {  	v3 =	vmul.f32 v3, v4;
	_ =	sdelay $0x1  }
0x12e: {  	[tilespmem:s24+$0xFFFFFFF0] =	vst v3  }
0x12f: {  	v3 =	vld [tilespmem:s16+$0x0];
	_ =	sdelay $0x1  }
0x130: {  	v4 =	vbroadcast v2, $0x2;
	_ =	sdelay $0x2  }
0x131: {  	v3 =	vmul.f32 v3, v4;
	_ =	sdelay $0x1  }
0x132: {  	[tilespmem:s24+$0x0] =	vst v3  }
0x133: {  	v3 =	vld [tilespmem:s16+$0x10];
	_ =	sdelay $0x4  }
0x134: {  	v3 =	vmul.f32 v3, v4;
	_ =	sdelay $0x1  }
0x135: {  	[tilespmem:s24+$0x10] =	vst v3  }
0x136: {  	v3 =	vld [tilespmem:s16+$0x20];
	_ =	sdelay $0x1  }
0x137: {  	v2 =	vbroadcast v2, $0x3;
	_ =	sdelay $0x2  }
0x138: {  	v3 =	vmul.f32 v3, v2;
	_ =	sdelay $0x1  }
0x139: {  	[tilespmem:s24+$0x20] =	vst v3  }
0x13a: {  	v3 =	vld [tilespmem:s16+$0x30]  }
.Ltmp1:
0x13b: {  	(pc) =	sbr.rel @p0 .LBB2_5-.Ltmp1, $2  }
0x13c: {  	_ =	sdelay $0x2  }
0x13d: {  	v2 =	vmul.f32 v3, v2  }
0x13e: {  	_ = 	snop  }
0x13f: {  	[tilespmem:s28+$0x30] =	vst v2  }
0x140: {  	[spmem:s2] =	stream.indirect.scatter.add.f32 [tilespmem:s30], [sflag:$0x4], $0x80, s7, s7, $0xb8;
	[tilespmem:$0x1E0C0] =	vst v63  }
0x141: {  	_ =	swait.ge [sflag:s31], $0x2000  }
0x142: {  	[sflag:s31] =	ssyncset.done $0x0  }
0x143: {  	[sflag:s31] =	ssyncadd.s32 $0xFFFFE000  }
0x144: {  	[spmem:s3] =	stream.indirect.scatter.add.f32 [tilespmem:s0], [sflag:$0x4], $0x10, s7, s7, $0xb8;
	[tilespmem:$0x1E0C0] =	vst v63  }
0x145: {  	s22 =	sadd.s32 $0x1, s22;
	_ =	swait.ge [sflag:s31], $0x400  }
0x146: {  	p0 =	sne.s32 s22, $0x13C;
	[sflag:s31] =	ssyncset.done $0x0  }
.Ltmp2:
0x147: {  	[sflag:s31] =	ssyncadd.s32 $0xFFFFFC00;
	(pc) =	sbr.rel @p0 .LBB2_4-.Ltmp2, $4  }
0x148: {  	[spmem:s4] =	stream.indirect.scatter.add.f32 [tilespmem:s14], [sflag:$0x4], $0x10, s7, s7, $0xb8;
	[tilespmem:$0x1E0C0] =	vst v63  }
0x149: {  	_ =	swait.ge [sflag:s31], $0x400  }
0x14a: {  	[sflag:s31] =	ssyncset.done $0x0  }
0x14b: {  	[sflag:s31] =	ssyncadd.s32 $0xFFFFFC00  }
0x14c: {  	[bflag:$0x0] =	sbarrier.arrive $0xFFFF;
	s24 =	simm.s32 $0x0;
	s25 =	simm.s32 $0x0  }
.LBB2_8:
0x14d: {  	s1 =	sshll.u32 s25, $0x6  }
0x14e: {  	s1 =	sadd.s32 s13, s1  }
0x14f: {  	s5 =	sshll.u32 s1, $0x7  }
0x150: {  	s5 =	sand.u32 $0x3FFFFF80, s5  }
0x151: {  	s5 =	sadd.s32 s5, s2  }
0x152: {  	[tilespmem:s18], [sflag:$0x4] =	stream.linear.gather [spmem:s5], $0x2000, $0x38;
	[tilespmem:$0x1E0C0] =	vst v63  }
0x153: {  	_ =	swait.ge [sflag:s31], $0x2000  }
0x154: {  	s22 =	sshll.u32 s1, $0x4;
	[sflag:s31] =	ssyncset.done $0x0  }
0x155: {  	s16 =	sadd.s32 s22, s3;
	[sflag:s31] =	ssyncadd.s32 $0xFFFFE000  }
0x156: {  	[tilespmem:s0], [sflag:$0x4] =	stream.linear.gather [spmem:s16], $0x400, $0x38;
	[tilespmem:$0x1E0C0] =	vst v63  }
0x157: {  	_ =	swait.ge [sflag:s31], $0x400  }
0x158: {  	[sflag:s31] =	ssyncset.done $0x0  }
0x159: {  	s5 =	sadd.s32 s22, s4;
	[sflag:s31] =	ssyncadd.s32 $0xFFFFFC00  }
0x15a: {  	[tilespmem:s14], [sflag:$0x4] =	stream.linear.gather [spmem:s5], $0x400, $0x38;
	[tilespmem:$0x1E0C0] =	vst v63  }
0x15b: {  	_ =	swait.ge [sflag:s31], $0x400  }
0x15c: {  	[sflag:s31] =	ssyncset.done $0x0  }
0x15d: {  	s1 =	sadd.s32 s23, s1;
	[sflag:s31] =	ssyncadd.s32 $0xFFFFFC00  }
0x15e: {  	s5 =	sshll.u32 s1, $0x1;
	s22 =	rddreg [dreg:$0x1]  }
0x15f: {  	s16 =	sadd.s32 s22, s5  }
0x160: {  	[tilespmem:s15], [sflag:$0x4] =	stream.linear.gather [hbm4b:s16+s24], $0x400, $0x38;
	[tilespmem:$0x1E0C0] =	vst v63  }
0x161: {  	_ =	swait.ge [sflag:s31], $0x400  }
0x162: {  	[sflag:s31] =	ssyncset.done $0x0  }
0x163: {  	s5 =	sadd.s32 s8, s5;
	[sflag:s31] =	ssyncadd.s32 $0xFFFFFC00  }
0x164: {  	[tilespmem:s17], [sflag:$0x4] =	stream.linear.gather [hbm4b:s5+s24], $0x400, $0x38;
	[tilespmem:$0x1E0C0] =	vst v63  }
0x165: {  	_ =	swait.ge [sflag:s31], $0x400  }
0x166: {  	s28 =	sshll.u32 s1, $0x4;
	[sflag:s31] =	ssyncset.done $0x0  }
0x167: {  	s1 =	sadd.s32 s6, s28;
	[sflag:s31] =	ssyncadd.s32 $0xFFFFFC00  }
0x168: {  	[tilespmem:s30], [sflag:$0x4] =	stream.linear.gather [hbm4b:s1+s24], $0x2000, $0x38;
	[tilespmem:$0x1E0C0] =	vst v63  }
0x169: {  	_ =	swait.ge [sflag:s31], $0x2000  }
0x16a: {  	[sflag:s31] =	ssyncset.done $0x0  }
0x16b: {  	s22 =	simm.s32 $0x0;
	[sflag:s31] =	ssyncadd.s32 $0xFFFFE000  }
0x16c: {  	v2 =	vld [tilespmem:s22+$0x8C0];
	_ =	sdelay $0x4  }
0x16d: {  	v3 =	vmax.f32 v2, $1.000000000e+00  }
0x16e: {  	v3 =	vbroadcast v3, $0x8;
	_ =	sdelay $0x1  }
0x16f: {  	(erf) = vrcp.f32 v3;
	_ =	sdelay $0x3  }
0x170: {  	v4 =	vld [tilespmem:s22+$0x4C0]  }
0x171: {  	v3 =	vld [tilespmem:s22+$0xC0];
	_ =	sdelay $0x3  }
0x172: {  	v5 =	vpop (erf)  }
0x173: {  	v3 =	vadd.f32 v4, v3;
	v2 =	vmul.f32 v5, v2;
	_ =	sdelay $0x1  }
0x174: {  	v2 =	vadd.f32 v2, v3;
	_ =	sdelay $0x1  }
0x175: {  	v3 =	vmul.f32 $2.000000030e-01, v2  }
0x176: {  	vm1 =	vge.f32 v2, $0.0e+00  }
0x177: {  	v2 =	vsel vm1, v2, v3  }
0x178: {  	v2 =	vmul.f32 $1.442695020e+00, v2;
	_ =	sdelay $0x1  }
0x179: {  	(erf) = vpow2.f32 v2;
	_ =	sdelay $0x4  }
0x17a: {  	v2 =	vld [tilespmem:s22+$0x4CC0];
	_ =	sdelay $0x3  }
0x17b: {  	v3 =	vpop (erf)  }
0x17c: {  	v2 =	vadd.f32 v3, v2;
	_ =	sdelay $0x1  }
0x17d: {  	v2 =	vadd.f32 $1.000000020e-16, v2;
	_ =	sdelay $0x1  }
0x17e: {  	(erf) = vrcp.f32 v2;
	_ =	sdelay $0x1  }
0x17f: {  	s22 =	simm.s32 $0x2D00  }
0x180: {  	v2 =	vld [tilespmem:s22+$0xFFFFFFC0]  }
0x181: {  	s5 =	simm.s32 $0xD00  }
0x182: {  	v50 =	vld [tilespmem:s5+$0xFFFFFFC0]  }
0x183: {  	v51 =	vbroadcast v3, $0x0;
	_ =	sdelay $0x1  }
0x184: {  	v2 =	vmul.f32 v51, v2  }
0x185: {  	v6 =	vpop (erf)  }
0x186: {  	v2 =	vadd.f32 v2, v50;
	v52 =	vbroadcast v6, $0x0;
	_ =	sdelay $0x1  }
0x187: {  	v2 =	vmul.f32 v52, v2;
	_ =	sdelay $0x1  }
0x188: {  	[tilespmem:s5+$0xFFFFFFC0] =	vst v2  }
0x189: {  	v2 =	vld [tilespmem:s22+$0xFFFFFFD0];
	_ =	sdelay $0x1  }
0x18a: {  	v7 =	vld [tilespmem:s5+$0xFFFFFFD0];
	_ =	sdelay $0x2  }
0x18b: {  	v2 =	vmul.f32 v51, v2;
	_ =	sdelay $0x1  }
0x18c: {  	v2 =	vadd.f32 v2, v7;
	_ =	sdelay $0x1  }
0x18d: {  	v2 =	vmul.f32 v52, v2;
	_ =	sdelay $0x1  }
0x18e: {  	[tilespmem:s5+$0xFFFFFFD0] =	vst v2  }
0x18f: {  	v2 =	vld [tilespmem:s22+$0xFFFFFFE0];
	_ =	sdelay $0x1  }
0x190: {  	v53 =	vld [tilespmem:s5+$0xFFFFFFE0]  }
0x191: {  	v54 =	vbroadcast v3, $0x1;
	_ =	sdelay $0x1  }
0x192: {  	v2 =	vmul.f32 v2, v54;
	_ =	sdelay $0x1  }
0x193: {  	v55 =	vbroadcast v6, $0x1;
	v2 =	vadd.f32 v2, v53;
	_ =	sdelay $0x1  }
0x194: {  	v2 =	vmul.f32 v55, v2;
	_ =	sdelay $0x1  }
0x195: {  	[tilespmem:s5+$0xFFFFFFE0] =	vst v2  }
0x196: {  	v2 =	vld [tilespmem:s22+$0xFFFFFFF0];
	_ =	sdelay $0x1  }
0x197: {  	v56 =	vld [tilespmem:s5+$0xFFFFFFF0];
	_ =	sdelay $0x2  }
0x198: {  	v2 =	vmul.f32 v2, v54;
	_ =	sdelay $0x1  }
0x199: {  	v2 =	vadd.f32 v2, v56;
	_ =	sdelay $0x1  }
0x19a: {  	v2 =	vmul.f32 v2, v55;
	_ =	sdelay $0x1  }
0x19b: {  	[tilespmem:s5+$0xFFFFFFF0] =	vst v2  }
0x19c: {  	v2 =	vld [tilespmem:s22+$0x0];
	_ =	sdelay $0x1  }
0x19d: {  	v57 =	vld [tilespmem:s5+$0x0]  }
0x19e: {  	v58 =	vbroadcast v3, $0x2;
	_ =	sdelay $0x1  }
0x19f: {  	v2 =	vmul.f32 v2, v58;
	_ =	sdelay $0x1  }
0x1a0: {  	v59 =	vbroadcast v6, $0x2;
	v2 =	vadd.f32 v2, v57;
	_ =	sdelay $0x1  }
0x1a1: {  	v2 =	vmul.f32 v2, v59;
	_ =	sdelay $0x1  }
0x1a2: {  	[tilespmem:s5+$0x0] =	vst v2  }
0x1a3: {  	v2 =	vld [tilespmem:s22+$0x10];
	_ =	sdelay $0x1  }
0x1a4: {  	v60 =	vld [tilespmem:s5+$0x10];
	_ =	sdelay $0x2  }
0x1a5: {  	v2 =	vmul.f32 v2, v58;
	_ =	sdelay $0x1  }
0x1a6: {  	v2 =	vadd.f32 v2, v60;
	_ =	sdelay $0x1  }
0x1a7: {  	v2 =	vmul.f32 v2, v59;
	_ =	sdelay $0x1  }
0x1a8: {  	[tilespmem:s5+$0x10] =	vst v2  }
0x1a9: {  	v2 =	vld [tilespmem:s22+$0x20];
	_ =	sdelay $0x1  }
0x1aa: {  	v61 =	vld [tilespmem:s5+$0x20]  }
0x1ab: {  	v3 =	vbroadcast v3, $0x3;
	_ =	sdelay $0x1  }
0x1ac: {  	v2 =	vmul.f32 v2, v3;
	_ =	sdelay $0x1  }
0x1ad: {  	v62 =	vbroadcast v6, $0x3;
	v2 =	vadd.f32 v2, v61;
	_ =	sdelay $0x1  }
0x1ae: {  	v2 =	vmul.f32 v2, v62;
	_ =	sdelay $0x1  }
0x1af: {  	[tilespmem:s5+$0x20] =	vst v2  }
0x1b0: {  	v2 =	vld [tilespmem:s22+$0x30];
	_ =	sdelay $0x1  }
0x1b1: {  	v63 =	vld [tilespmem:s5+$0x30];
	_ =	sdelay $0x2  }
0x1b2: {  	v2 =	vmul.f32 v2, v3;
	_ =	sdelay $0x1  }
0x1b3: {  	v2 =	vadd.f32 v2, v63;
	_ =	sdelay $0x1  }
0x1b4: {  	v2 =	vmul.f32 v2, v62;
	_ =	sdelay $0x1  }
0x1b5: {  	s16 =	simm.s32 $0x80;
	s1 =	simm.s32 $0x10;
	[tilespmem:s5+$0x30] =	vst v2  }
.LBB2_9:
0x1b6: {  	p0 =	sne.s32 s16, $0xFC0;
	v2 =	vld [tilespmem:s1+$0x8C0]  }
0x1b7: {  	v3 =	vld [tilespmem:s1+$0xC0]  }
0x1b8: {  	v4 =	vld [tilespmem:s1+$0x4C0]  }
0x1b9: {  	s22 =	sadd.s32 $0x80, s22;
	v5 =	vld [tilespmem:s1+$0x4CC0]  }
0x1ba: {  	v6 =	vld [tilespmem:s22+$0xFFFFFFC0]  }
0x1bb: {  	v7 =	vmax.f32 v2, $1.000000000e+00  }
0x1bc: {  	v7 =	vbroadcast v7, $0x8;
	_ =	sdelay $0x1  }
0x1bd: {  	(erf) = vrcp.f32 v7;
	_ =	sdelay $0x8  }
0x1be: {  	v7 =	vpop (erf)  }
0x1bf: {  	v3 =	vadd.f32 v4, v3;
	v2 =	vmul.f32 v7, v2;
	_ =	sdelay $0x1  }
0x1c0: {  	v2 =	vadd.f32 v2, v3;
	_ =	sdelay $0x1  }
0x1c1: {  	v3 =	vmul.f32 $2.000000030e-01, v2  }
0x1c2: {  	vm1 =	vge.f32 v2, $0.0e+00  }
0x1c3: {  	v2 =	vsel vm1, v2, v3  }
0x1c4: {  	v2 =	vmul.f32 $1.442695020e+00, v2;
	_ =	sdelay $0x1  }
0x1c5: {  	(erf) = vpow2.f32 v2;
	_ =	sdelay $0x8  }
0x1c6: {  	v2 =	vpop (erf)  }
0x1c7: {  	v3 =	vadd.f32 v2, v5;
	v4 =	vbroadcast v2, $0x1;
	v5 =	vbroadcast v2, $0x2;
	_ =	sdelay $0x1  }
0x1c8: {  	v3 =	vadd.f32 $1.000000020e-16, v3;
	_ =	sdelay $0x1  }
0x1c9: {  	(erf) = vrcp.f32 v3;
	_ =	sdelay $0x3  }
0x1ca: {  	s5 =	sadd.s32 $0x80, s5  }
0x1cb: {  	v3 =	vld [tilespmem:s5+$0xFFFFFFC0]  }
0x1cc: {  	v7 =	vbroadcast v2, $0x0;
	_ =	sdelay $0x1  }
0x1cd: {  	v6 =	vmul.f32 v7, v6  }
0x1ce: {  	v8 =	vpop (erf)  }
0x1cf: {  	v6 =	vadd.f32 v6, v3;
	v9 =	vbroadcast v8, $0x0;
	v10 =	vbroadcast v8, $0x1  }
0x1d0: {  	v11 =	vbroadcast v8, $0x2;
	v3 =	vbroadcast v8, $0x3  }
0x1d1: {  	v6 =	vmul.f32 v9, v6;
	_ =	sdelay $0x1  }
0x1d2: {  	[tilespmem:s5+$0xFFFFFFC0] =	vst v6  }
0x1d3: {  	v6 =	vld [tilespmem:s22+$0xFFFFFFD0];
	_ =	sdelay $0x1  }
0x1d4: {  	v8 =	vld [tilespmem:s5+$0xFFFFFFD0];
	_ =	sdelay $0x2  }
0x1d5: {  	v6 =	vmul.f32 v7, v6;
	_ =	sdelay $0x1  }
0x1d6: {  	v6 =	vadd.f32 v6, v8;
	_ =	sdelay $0x1  }
0x1d7: {  	v6 =	vmul.f32 v9, v6;
	_ =	sdelay $0x1  }
0x1d8: {  	[tilespmem:s5+$0xFFFFFFD0] =	vst v6  }
0x1d9: {  	v6 =	vld [tilespmem:s22+$0xFFFFFFE0];
	_ =	sdelay $0x1  }
0x1da: {  	v7 =	vld [tilespmem:s5+$0xFFFFFFE0];
	_ =	sdelay $0x2  }
0x1db: {  	v6 =	vmul.f32 v6, v4;
	_ =	sdelay $0x1  }
0x1dc: {  	v6 =	vadd.f32 v6, v7;
	_ =	sdelay $0x1  }
0x1dd: {  	v6 =	vmul.f32 v10, v6;
	_ =	sdelay $0x1  }
0x1de: {  	[tilespmem:s5+$0xFFFFFFE0] =	vst v6  }
0x1df: {  	v6 =	vld [tilespmem:s22+$0xFFFFFFF0];
	_ =	sdelay $0x1  }
0x1e0: {  	v7 =	vld [tilespmem:s5+$0xFFFFFFF0];
	_ =	sdelay $0x2  }
0x1e1: {  	v4 =	vmul.f32 v6, v4;
	_ =	sdelay $0x1  }
0x1e2: {  	v4 =	vadd.f32 v4, v7;
	_ =	sdelay $0x1  }
0x1e3: {  	v4 =	vmul.f32 v4, v10;
	_ =	sdelay $0x1  }
0x1e4: {  	[tilespmem:s5+$0xFFFFFFF0] =	vst v4  }
0x1e5: {  	v4 =	vld [tilespmem:s22+$0x0];
	_ =	sdelay $0x1  }
0x1e6: {  	v6 =	vld [tilespmem:s5+$0x0];
	_ =	sdelay $0x2  }
0x1e7: {  	v4 =	vmul.f32 v4, v5;
	_ =	sdelay $0x1  }
0x1e8: {  	v4 =	vadd.f32 v4, v6;
	_ =	sdelay $0x1  }
0x1e9: {  	v4 =	vmul.f32 v4, v11;
	_ =	sdelay $0x1  }
0x1ea: {  	[tilespmem:s5+$0x0] =	vst v4  }
0x1eb: {  	v4 =	vld [tilespmem:s22+$0x10];
	_ =	sdelay $0x1  }
0x1ec: {  	v6 =	vld [tilespmem:s5+$0x10];
	_ =	sdelay $0x2  }
0x1ed: {  	v4 =	vmul.f32 v4, v5;
	_ =	sdelay $0x1  }
0x1ee: {  	v4 =	vadd.f32 v4, v6;
	_ =	sdelay $0x1  }
0x1ef: {  	v4 =	vmul.f32 v4, v11;
	_ =	sdelay $0x1  }
0x1f0: {  	[tilespmem:s5+$0x10] =	vst v4  }
0x1f1: {  	v4 =	vld [tilespmem:s22+$0x20];
	_ =	sdelay $0x1  }
0x1f2: {  	v5 =	vld [tilespmem:s5+$0x20]  }
0x1f3: {  	v2 =	vbroadcast v2, $0x3;
	_ =	sdelay $0x1  }
0x1f4: {  	v4 =	vmul.f32 v4, v2;
	_ =	sdelay $0x1  }
0x1f5: {  	v4 =	vadd.f32 v4, v5;
	_ =	sdelay $0x1  }
0x1f6: {  	v4 =	vmul.f32 v4, v3;
	_ =	sdelay $0x1  }
0x1f7: {  	[tilespmem:s5+$0x20] =	vst v4  }
0x1f8: {  	v4 =	vld [tilespmem:s22+$0x30];
	_ =	sdelay $0x1  }
0x1f9: {  	v5 =	vld [tilespmem:s5+$0x30];
	_ =	sdelay $0x2  }
0x1fa: {  	v2 =	vmul.f32 v4, v2;
	_ =	sdelay $0x1  }
.Ltmp3:
0x1fb: {  	v2 =	vadd.f32 v2, v5;
	(pc) =	sbr.rel @p0 .LBB2_9-.Ltmp3, $3  }
0x1fc: {  	_ = 	snop  }
0x1fd: {  	v2 =	vmul.f32 v2, v3;
	_ =	sdelay $0x1  }
0x1fe: {  	s1 =	sshra.s32 s16, $0x2;
	s16 =	sadd.s32 $0x40, s16;
	[tilespmem:s5+$0x30] =	vst v2  }
0x1ff: {  	v2 =	vld [tilespmem:s1+$0x8C0];
	_ =	sdelay $0x4  }
0x200: {  	v3 =	vmax.f32 v2, $1.000000000e+00  }
0x201: {  	v3 =	vbroadcast v3, $0x8;
	_ =	sdelay $0x1  }
0x202: {  	(erf) = vrcp.f32 v3;
	_ =	sdelay $0x3  }
0x203: {  	v4 =	vld [tilespmem:s1+$0x4C0]  }
0x204: {  	v3 =	vld [tilespmem:s1+$0xC0];
	_ =	sdelay $0x3  }
0x205: {  	v5 =	vpop (erf)  }
0x206: {  	v3 =	vadd.f32 v4, v3;
	v2 =	vmul.f32 v5, v2;
	_ =	sdelay $0x1  }
0x207: {  	v2 =	vadd.f32 v2, v3;
	_ =	sdelay $0x1  }
0x208: {  	v3 =	vmul.f32 $2.000000030e-01, v2  }
0x209: {  	vm1 =	vge.f32 v2, $0.0e+00  }
0x20a: {  	v2 =	vsel vm1, v2, v3  }
0x20b: {  	v2 =	vmul.f32 $1.442695020e+00, v2;
	_ =	sdelay $0x1  }
0x20c: {  	(erf) = vpow2.f32 v2;
	_ =	sdelay $0x4  }
0x20d: {  	v2 =	vld [tilespmem:s1+$0x4CC0];
	_ =	sdelay $0x3  }
0x20e: {  	v3 =	vpop (erf)  }
0x20f: {  	v2 =	vadd.f32 v3, v2;
	_ =	sdelay $0x1  }
0x210: {  	v2 =	vadd.f32 $1.000000020e-16, v2;
	_ =	sdelay $0x1  }
0x211: {  	(erf) = vrcp.f32 v2;
	_ =	sdelay $0x1  }
0x212: {  	s16 =	sadd.s32 $0x80, s22  }
0x213: {  	v2 =	vld [tilespmem:s16+$0xFFFFFFC0]  }
0x214: {  	s5 =	sadd.s32 $0x80, s5  }
0x215: {  	v50 =	vld [tilespmem:s5+$0xFFFFFFC0]  }
0x216: {  	v51 =	vbroadcast v3, $0x0;
	_ =	sdelay $0x1  }
0x217: {  	v2 =	vmul.f32 v51, v2  }
0x218: {  	v6 =	vpop (erf)  }
0x219: {  	v2 =	vadd.f32 v2, v50;
	v52 =	vbroadcast v6, $0x0;
	_ =	sdelay $0x1  }
0x21a: {  	v2 =	vmul.f32 v52, v2;
	_ =	sdelay $0x1  }
0x21b: {  	[tilespmem:s5+$0xFFFFFFC0] =	vst v2  }
0x21c: {  	v2 =	vld [tilespmem:s16+$0xFFFFFFD0];
	_ =	sdelay $0x1  }
0x21d: {  	v7 =	vld [tilespmem:s5+$0xFFFFFFD0];
	_ =	sdelay $0x2  }
0x21e: {  	v2 =	vmul.f32 v51, v2;
	_ =	sdelay $0x1  }
0x21f: {  	v2 =	vadd.f32 v2, v7;
	_ =	sdelay $0x1  }
0x220: {  	v2 =	vmul.f32 v52, v2;
	_ =	sdelay $0x1  }
0x221: {  	[tilespmem:s5+$0xFFFFFFD0] =	vst v2  }
0x222: {  	v2 =	vld [tilespmem:s16+$0xFFFFFFE0];
	_ =	sdelay $0x1  }
0x223: {  	v53 =	vld [tilespmem:s5+$0xFFFFFFE0]  }
0x224: {  	v54 =	vbroadcast v3, $0x1;
	_ =	sdelay $0x1  }
0x225: {  	v2 =	vmul.f32 v2, v54;
	_ =	sdelay $0x1  }
0x226: {  	v55 =	vbroadcast v6, $0x1;
	v2 =	vadd.f32 v2, v53;
	_ =	sdelay $0x1  }
0x227: {  	v2 =	vmul.f32 v55, v2;
	_ =	sdelay $0x1  }
0x228: {  	[tilespmem:s5+$0xFFFFFFE0] =	vst v2  }
0x229: {  	v2 =	vld [tilespmem:s16+$0xFFFFFFF0];
	_ =	sdelay $0x1  }
0x22a: {  	v56 =	vld [tilespmem:s5+$0xFFFFFFF0];
	_ =	sdelay $0x2  }
0x22b: {  	v2 =	vmul.f32 v2, v54;
	_ =	sdelay $0x1  }
0x22c: {  	v2 =	vadd.f32 v2, v56;
	_ =	sdelay $0x1  }
0x22d: {  	v2 =	vmul.f32 v2, v55;
	_ =	sdelay $0x1  }
0x22e: {  	[tilespmem:s5+$0xFFFFFFF0] =	vst v2  }
0x22f: {  	v2 =	vld [tilespmem:s16+$0x0];
	_ =	sdelay $0x1  }
0x230: {  	v57 =	vld [tilespmem:s5+$0x0]  }
0x231: {  	v58 =	vbroadcast v3, $0x2;
	_ =	sdelay $0x1  }
0x232: {  	v2 =	vmul.f32 v2, v58;
	_ =	sdelay $0x1  }
0x233: {  	v59 =	vbroadcast v6, $0x2;
	v2 =	vadd.f32 v2, v57;
	_ =	sdelay $0x1  }
0x234: {  	v2 =	vmul.f32 v2, v59;
	_ =	sdelay $0x1  }
0x235: {  	[tilespmem:s5+$0x0] =	vst v2  }
0x236: {  	v2 =	vld [tilespmem:s16+$0x10];
	_ =	sdelay $0x1  }
0x237: {  	v60 =	vld [tilespmem:s5+$0x10];
	_ =	sdelay $0x2  }
0x238: {  	v2 =	vmul.f32 v2, v58;
	_ =	sdelay $0x1  }
0x239: {  	v2 =	vadd.f32 v2, v60;
	_ =	sdelay $0x1  }
0x23a: {  	v2 =	vmul.f32 v2, v59;
	_ =	sdelay $0x1  }
0x23b: {  	[tilespmem:s5+$0x10] =	vst v2  }
0x23c: {  	v2 =	vld [tilespmem:s16+$0x20];
	_ =	sdelay $0x1  }
0x23d: {  	v61 =	vld [tilespmem:s5+$0x20]  }
0x23e: {  	v3 =	vbroadcast v3, $0x3;
	_ =	sdelay $0x1  }
0x23f: {  	v2 =	vmul.f32 v2, v3;
	_ =	sdelay $0x1  }
0x240: {  	v62 =	vbroadcast v6, $0x3;
	v2 =	vadd.f32 v2, v61;
	_ =	sdelay $0x1  }
0x241: {  	v2 =	vmul.f32 v2, v62;
	_ =	sdelay $0x1  }
0x242: {  	[tilespmem:s5+$0x20] =	vst v2  }
0x243: {  	v2 =	vld [tilespmem:s16+$0x30];
	_ =	sdelay $0x1  }
0x244: {  	v63 =	vld [tilespmem:s5+$0x30];
	_ =	sdelay $0x2  }
0x245: {  	v2 =	vmul.f32 v2, v3;
	_ =	sdelay $0x1  }
0x246: {  	v2 =	vadd.f32 v2, v63;
	_ =	sdelay $0x1  }
0x247: {  	s25 =	sadd.s32 $0x1, s25;
	v2 =	vmul.f32 v2, v62  }
0x248: {  	p0 =	sne.s32 s25, $0xA  }
.Ltmp4:
0x249: {  	s22 =	sadd.s32 s12, s28;
	s28 =	simm.s32 $0x0;
	[tilespmem:s5+$0x30] =	vst v2;
	(pc) =	sbr.rel @p0 .LBB2_8-.Ltmp4, $4  }
0x24a: {  	[hbm4b:s22+s28] =	stream.linear.scatter [tilespmem:s18], [sflag:$0x4], $0x2000, $0x38;
	[tilespmem:$0x1E0C0] =	vst v63  }
0x24b: {  	_ =	swait.ge [sflag:s31], $0x2000  }
0x24c: {  	[sflag:s31] =	ssyncset.done $0x0  }
0x24d: {  	[sflag:s31] =	ssyncadd.s32 $0xFFFFE000  }
0x24e: {  	s5 =	sld [smem:$0x7F8]  }
0x24f: {  	s1 =	sld [smem:$0x7FD];
	_ =	sdelay $0x1  }
0x250: {  	s5 =	sadd.s32 $0x1, s5  }
0x251: {  	p0 =	sne.s32 s5, s1  }
.Ltmp5:
0x252: {  	_ = 	snop;
	(pc) =	sbr.rel @p0 .LBB2_1-.Ltmp5, $1  }
0x253: {  	_ =	sdelay $0x3  }
0x254: {  	_ =	sfence.sel $0x180000  }
0x255: {  	[bflag:$0x0] =	sbarrier.arrive $0xFFFF  }
0x256: {  	_ =	strace $0x90000047  }
0x257: {  	s0 =	stileid.u32;
	[bflag:$0x2] =	sbarrier.arrive $0xFFFF  }
0x258: {  	p0 =	sne.s32 s0, $0x0;
	s0 =	rddreg [dreg:$0x5]  }
0x259: {  	s0 =	sadd.s32 @!p0 $0x100000, s0  }
0x25a: {  	[sflag:s0] =	ssyncadd.tile.s32 @!p0 $0x1;
	_ =	shalt  }
.Lfunc_end2:
_tile_overlayer_lowered:
.L_overlay_start_2:
0x25b: {  	(tag) =	ssettag $0x2  }
0x25c: {  	s0 =	rddreg [dreg:$0x0];
	s2 =	stileid.u32  }
0x25d: {  	s1 =	rddreg [dreg:$0x1];
	p0 =	sne.s32 s2, $0x0  }
0x25e: {  	s3 =	rddreg [dreg:$0x2];
	[bflag:$0x3] =	sbarrier.arrive $0xFFFF;
	s2 =	simm.s32 @!p0 $0x1C04  }
0x25f: {  	[timem:s3], [sflag:s2] =	dma.local @!p0 [hbm:s0], s1  }
0x260: {  	s0 =	simm.s32 @!p0 $0x4  }
0x261: {  	_ =	swait.ge @!p0 [sflag:s0], s1  }
0x262: {  	s1 =	ssub.s32 @!p0 $0x0, s1;
	[sflag:s0] =	ssyncset.done @!p0 $0x0  }
0x263: {  	[sflag:s0] =	ssyncadd.s32 @!p0 s1  }
0x264: {  	[bflag:$0x3] =	sbarrier.arrive $0xFFFF  }
0x265: {  	_ =	shalt  }

</sc_bundles>
